<compile_context>
chip_gen: v7x
topology: tpu7x:2x2x1
jax: 0.10.2.dev20260603
libtpu: 0.0.44.dev20260713+nightly
codegen_flags: <defaults>
</compile_context>

<pallas_src>
import functools

import jax
import jax.numpy as jnp
from jax import lax
from jax.experimental import pallas as pl
from jax.experimental.pallas import tpu as pltpu
from jax.experimental.pallas import tpu_sc as plsc

_NUM_CORES = 2
_NUM_SUBCORES = 16
_NUM_WORKERS = _NUM_CORES * _NUM_SUBCORES
_GROUP = 16


@functools.lru_cache(maxsize=None)
def _make_kernel(T, D, B):
    b_per_w = B // _NUM_WORKERS
    n_groups = b_per_w // _GROUP
    mesh = plsc.VectorSubcoreMesh(
        core_axis_name="c",
        subcore_axis_name="s",
        num_cores=_NUM_CORES,
        num_subcores=_NUM_SUBCORES,
    )

    @functools.partial(
        pl.kernel,
        mesh=mesh,
        out_type=jax.ShapeDtypeStruct((B // 8, 8, D), jnp.float32),
        scratch_types=[
            pltpu.VMEM((b_per_w,), jnp.int32),
            pltpu.VMEM((b_per_w,), jnp.int32),
            pltpu.VMEM((b_per_w // 8, 8, D), jnp.float32),
            pltpu.SemaphoreType.DMA,
        ],
    )
    def gather_kernel(t_hbm, s_hbm, table_hbm, out_hbm, t_sm, s_sm, rows_v, sem):
        wid = lax.axis_index("s") * _NUM_CORES + lax.axis_index("c")
        base = wid * b_per_w
        pltpu.sync_copy(t_hbm.at[pl.ds(base, b_per_w)], t_sm)
        pltpu.sync_copy(s_hbm.at[pl.ds(base, b_per_w)], s_sm)

        def step(g, _):
            tv = t_sm[pl.ds(g * _GROUP, _GROUP)]
            sv = s_sm[pl.ds(g * _GROUP, _GROUP)]
            copies = []
            for u in range(_GROUP):
                b = g * _GROUP + u
                copies.append(
                    pltpu.async_copy(
                        table_hbm.at[tv[u], sv[u]],
                        rows_v.at[b // 8, b % 8],
                        sem,
                    )
                )
            for c in copies:
                c.wait()
            return 0

        lax.fori_loop(0, n_groups, step, 0)
        pltpu.sync_copy(rows_v, out_hbm.at[pl.ds(base // 8, b_per_w // 8)])

    return gather_kernel


def kernel(provider_ids, table):
    (B,) = provider_ids.shape
    V, D = table.shape
    idx = provider_ids.astype(jnp.int32)
    t = idx // 8
    s = idx - t * 8
    table3 = table.reshape(V // 8, 8, D)
    out3 = _make_kernel(V // 8, D, B)(t, s, table3)
    return out3.reshape(B, D)

# --- scband reference (transcript-rebuilt; emitter-appended) ---
"""Pipeline reference for scband-provider-embedding-74947179315389 (READ-ONLY COPY).

The authoritative reference and input builder live on the scoring server;
editing this copy changes nothing except your own understanding.
"""

import jax, jax.numpy as jnp
import numpy as np

NUM_PROVIDERS = 1000000
EMBEDDING_DIM = 64
BATCH = 16384

def setup_inputs(seed: int = 0) -> dict:
    key = jax.random.key(seed)
    k_idx, k_tab = jax.random.split(key)
    provider_ids = jax.random.randint(k_idx, (BATCH,), 0, NUM_PROVIDERS, dtype=jnp.int64 if jax.config.jax_enable_x64 else jnp.int32)
    table = jax.random.normal(k_tab, (NUM_PROVIDERS, EMBEDDING_DIM), dtype=jnp.float32)
    return {"provider_ids": provider_ids, "table": table}

def reference(provider_ids, table):
    # nn.Embedding forward: row gather from table
    return jnp.take(table, provider_ids, axis=0)

if __name__ == "__main__":
    import jax
    _d = setup_inputs()
    print(jax.jit(kernel)(*tuple(_d.values())))

</pallas_src>

<mosaic_0001>
#map = affine_map<(d0, d1) -> (0)>
#map1 = affine_map<(d0, d1) -> (0, 0, 0)>
module attributes {stable_mosaic.version = 14 : i64} {
  func.func @gather_kernel(%arg0: i32, %arg1: i32, %arg2: memref<16384xi32, #tpu.memory_space<hbm>>, %arg3: memref<16384xi32, #tpu.memory_space<hbm>>, %arg4: memref<125000x8x64xf32, #tpu.memory_space<hbm>>, %arg5: memref<2048x8x64xf32, #tpu.memory_space<hbm>>, %arg6: memref<512xi32, #tpu.memory_space<vmem>>, %arg7: memref<512xi32, #tpu.memory_space<vmem>>, %arg8: memref<64x8x64xf32, #tpu.memory_space<vmem>>, %arg9: memref<!tpu.dma_semaphore, #tpu.memory_space<semaphore_mem>>) attributes {dimension_semantics = [#tpu.dimension_semantics<core_parallel>, #tpu.dimension_semantics<subcore_parallel>], iteration_bounds = array<i64: 2, 16>, scalar_prefetch = 0 : i64, scratch_operands = 4 : i64, tpu.core_type = #tpu.core_type<sc_vector_subcore>, window_params = [{transform_indices = #map}, {transform_indices = #map}, {transform_indices = #map1}, {transform_indices = #map1}]} {
    %mul3A = arith.constant 2 : i32
    %mul3A_0 = arith.muli %arg1, %mul3A : i32
    %add3A = arith.addi %mul3A_0, %arg0 : i32
    %mul3A_1 = arith.constant 512 : i32
    %mul3A_2 = arith.muli %add3A, %mul3A_1 : i32
    "tpu.region"() ({
      %run_scoped3A = tpu.sem_alloc : memref<!tpu.dma_semaphore, #tpu.memory_space<semaphore_mem>>
      %dma_start3A = tpu.memref_slice %arg2[%mul3A_2] : memref<16384xi32, #tpu.memory_space<hbm>> -> memref<512xi32, #tpu.memory_space<hbm>>
      %dma_start3A_25 = tpu.memref_slice %arg2[%mul3A_2] : memref<16384xi32, #tpu.memory_space<hbm>> -> memref<512xi32, #tpu.memory_space<hbm>>
      tpu.enqueue_dma source(%dma_start3A_25 : memref<512xi32, #tpu.memory_space<hbm>>) target(%arg6 : memref<512xi32, #tpu.memory_space<vmem>>) target_semaphore(%run_scoped3A : memref<!tpu.dma_semaphore, #tpu.memory_space<semaphore_mem>>)
      %dma_wait3A = tpu.memref_slice %arg2[%mul3A_2] : memref<16384xi32, #tpu.memory_space<hbm>> -> memref<512xi32, #tpu.memory_space<hbm>>
      %dma_wait3A_26 = tpu.memref_slice %arg2[%mul3A_2] : memref<16384xi32, #tpu.memory_space<hbm>> -> memref<512xi32, #tpu.memory_space<hbm>>
      tpu.wait_dma2 semaphore(%run_scoped3A : memref<!tpu.dma_semaphore, #tpu.memory_space<semaphore_mem>>) src(%dma_wait3A_26 : memref<512xi32, #tpu.memory_space<hbm>>) dst(%arg6 : memref<512xi32, #tpu.memory_space<vmem>>)
      tpu.yield
    }) : () -> ()
    "tpu.region"() ({
      %run_scoped3A = tpu.sem_alloc : memref<!tpu.dma_semaphore, #tpu.memory_space<semaphore_mem>>
      %dma_start3A = tpu.memref_slice %arg3[%mul3A_2] : memref<16384xi32, #tpu.memory_space<hbm>> -> memref<512xi32, #tpu.memory_space<hbm>>
      %dma_start3A_25 = tpu.memref_slice %arg3[%mul3A_2] : memref<16384xi32, #tpu.memory_space<hbm>> -> memref<512xi32, #tpu.memory_space<hbm>>
      tpu.enqueue_dma source(%dma_start3A_25 : memref<512xi32, #tpu.memory_space<hbm>>) target(%arg7 : memref<512xi32, #tpu.memory_space<vmem>>) target_semaphore(%run_scoped3A : memref<!tpu.dma_semaphore, #tpu.memory_space<semaphore_mem>>)
      %dma_wait3A = tpu.memref_slice %arg3[%mul3A_2] : memref<16384xi32, #tpu.memory_space<hbm>> -> memref<512xi32, #tpu.memory_space<hbm>>
      %dma_wait3A_26 = tpu.memref_slice %arg3[%mul3A_2] : memref<16384xi32, #tpu.memory_space<hbm>> -> memref<512xi32, #tpu.memory_space<hbm>>
      tpu.wait_dma2 semaphore(%run_scoped3A : memref<!tpu.dma_semaphore, #tpu.memory_space<semaphore_mem>>) src(%dma_wait3A_26 : memref<512xi32, #tpu.memory_space<hbm>>) dst(%arg7 : memref<512xi32, #tpu.memory_space<vmem>>)
      tpu.yield
    }) : () -> ()
    %scan3A = arith.constant 0 : i32
    %scan3A_3 = arith.constant 0 : i32
    %scan3A_4 = arith.constant 32 : i32
    %scan3A_5 = arith.addi %scan3A_3, %scan3A_4 : i32
    %scan3A_6 = arith.constant 1 : i32
    %scan3A_7 = scf.for %scan3A_25 = %scan3A_3 to %scan3A_5 step %scan3A_6 iter_args(%scan3A_26 = %scan3A) -> (i32)  : i32 {
      %mul3A_27 = arith.constant 16 : i32
      %mul3A_28 = arith.muli %scan3A_25, %mul3A_27 : i32
      %get3A = arith.index_cast %mul3A_28 : i32 to index
      %get3A_29 = tpu.vector_load %arg6[%get3A] {strides = array<i32>} : memref<512xi32, #tpu.memory_space<vmem>>, vector<16xi32>,
      %get3A_30 = vector.shape_cast %get3A_29 : vector<16xi32> to vector<16xi32>
      %mul3A_31 = arith.constant 16 : i32
      %mul3A_32 = arith.muli %scan3A_25, %mul3A_31 : i32
      %get3A_33 = arith.index_cast %mul3A_32 : i32 to index
      %get3A_34 = tpu.vector_load %arg7[%get3A_33] {strides = array<i32>} : memref<512xi32, #tpu.memory_space<vmem>>, vector<16xi32>,
      %get3A_35 = vector.shape_cast %get3A_34 : vector<16xi32> to vector<16xi32>
      %mul3A_36 = arith.constant 16 : i32
      %mul3A_37 = arith.muli %scan3A_25, %mul3A_36 : i32
      %add3A_38 = arith.constant 0 : i32
      %add3A_39 = arith.addi %mul3A_37, %add3A_38 : i32
      %slice3A = vector.extract_strided_slice %get3A_30 {offsets = [0], sizes = [1], strides = [1]} : vector<16xi32> to vector<1xi32>
      %squeeze3A = vector.extract %slice3A[0] : i32 from vector<1xi32>
      %slice3A_40 = vector.extract_strided_slice %get3A_35 {offsets = [0], sizes = [1], strides = [1]} : vector<16xi32> to vector<1xi32>
      %squeeze3A_41 = vector.extract %slice3A_40[0] : i32 from vector<1xi32>
      %jit3A_42 = arith.constant 8 : i32
      %div3A_43 = arith.divsi %add3A_39, %jit3A_42 : i32
      %sign3A_44 = arith.constant 0 : i32
      %sign3A_45 = arith.cmpi sgt, %add3A_39, %sign3A_44 : i32
      %sign3A_46 = arith.extui %sign3A_45 : i1 to i32
      %sign3A_47 = arith.constant 0 : i32
      %sign3A_48 = arith.cmpi slt, %add3A_39, %sign3A_47 : i32
      %sign3A_49 = arith.extui %sign3A_48 : i1 to i32
      %sign3A_50 = arith.subi %sign3A_46, %sign3A_49 : i32
      %sign3A_51 = arith.constant 0 : i32
      %sign3A_52 = arith.cmpi sgt, %jit3A_42, %sign3A_51 : i32
      %sign3A_53 = arith.extui %sign3A_52 : i1 to i32
      %sign3A_54 = arith.constant 0 : i32
      %sign3A_55 = arith.cmpi slt, %jit3A_42, %sign3A_54 : i32
      %sign3A_56 = arith.extui %sign3A_55 : i1 to i32
      %sign3A_57 = arith.subi %sign3A_53, %sign3A_56 : i32
      %ne3A_58 = arith.cmpi ne, %sign3A_50, %sign3A_57 : i32
      %rem3A_59 = arith.remsi %add3A_39, %jit3A_42 : i32
      %ne3A_60 = arith.constant 0 : i32
      %ne3A_61 = arith.cmpi ne, %rem3A_59, %ne3A_60 : i32
      %and3A_62 = arith.andi %ne3A_58, %ne3A_61 : i1
      %sub3A_63 = arith.constant 1 : i32
      %sub3A_64 = arith.subi %div3A_43, %sub3A_63 : i32
      %select_n3A_65 = arith.select %and3A_62, %sub3A_64, %div3A_43 : i32
      %jit3A_66 = arith.constant 8 : i32
      %eq3A = arith.constant 0 : i32
      %eq3A_67 = arith.cmpi eq, %jit3A_66, %eq3A : i32
      %jit3A_68 = arith.constant 1 : i32
      %select_n3A_69 = arith.select %eq3A_67, %jit3A_68, %jit3A_66 : i32
      %rem3A_70 = arith.remsi %add3A_39, %select_n3A_69 : i32
      %ne3A_71 = arith.constant 0 : i32
      %ne3A_72 = arith.cmpi ne, %rem3A_70, %ne3A_71 : i32
      %lt3A = arith.constant 0 : i32
      %lt3A_73 = arith.cmpi slt, %rem3A_70, %lt3A : i32
      %lt3A_74 = arith.constant 0 : i32
      %lt3A_75 = arith.cmpi slt, %select_n3A_69, %lt3A_74 : i32
      %ne3A_76 = arith.xori %lt3A_73, %lt3A_75 : i1
      %and3A_77 = arith.andi %ne3A_76, %ne3A_72 : i1
      %add3A_78 = arith.addi %rem3A_70, %select_n3A_69 : i32
      %select_n3A_79 = arith.select %and3A_77, %add3A_78, %rem3A_70 : i32
      %dma_start3A = arith.constant 0 : i32
      %dma_start3A_80 = tpu.memref_slice %arg8[%select_n3A_65, %select_n3A_79, %dma_start3A] : memref<64x8x64xf32, #tpu.memory_space<vmem>> -> memref<1x1x64xf32, #tpu.memory_space<vmem>>
      %dma_start3A_81 = tpu.memref_squeeze %dma_start3A_80 : memref<1x1x64xf32, #tpu.memory_space<vmem>> -> memref<64xf32, #tpu.memory_space<vmem>>
      %dma_start3A_82 = arith.constant 0 : i32
      %dma_start3A_83 = tpu.memref_slice %arg4[%squeeze3A, %squeeze3A_41, %dma_start3A_82] : memref<125000x8x64xf32, #tpu.memory_space<hbm>> -> memref<1x1x64xf32, #tpu.memory_space<hbm>>
      %dma_start3A_84 = tpu.memref_squeeze %dma_start3A_83 : memref<1x1x64xf32, #tpu.memory_space<hbm>> -> memref<64xf32, #tpu.memory_space<hbm>>
      %dma_start3A_85 = arith.constant 0 : i32
      %dma_start3A_86 = tpu.memref_slice %arg8[%select_n3A_65, %select_n3A_79, %dma_start3A_85] : memref<64x8x64xf32, #tpu.memory_space<vmem>> -> memref<1x1x64xf32, #tpu.memory_space<vmem>>
      %dma_start3A_87 = tpu.memref_squeeze %dma_start3A_86 : memref<1x1x64xf32, #tpu.memory_space<vmem>> -> memref<64xf32, #tpu.memory_space<vmem>>
      %dma_start3A_88 = arith.constant 0 : i32
      %dma_start3A_89 = tpu.memref_slice %arg4[%squeeze3A, %squeeze3A_41, %dma_start3A_88] : memref<125000x8x64xf32, #tpu.memory_space<hbm>> -> memref<1x1x64xf32, #tpu.memory_space<hbm>>
      %dma_start3A_90 = tpu.memref_squeeze %dma_start3A_89 : memref<1x1x64xf32, #tpu.memory_space<hbm>> -> memref<64xf32, #tpu.memory_space<hbm>>
      tpu.enqueue_dma source(%dma_start3A_90 : memref<64xf32, #tpu.memory_space<hbm>>) target(%dma_start3A_87 : memref<64xf32, #tpu.memory_space<vmem>>) target_semaphore(%arg9 : memref<!tpu.dma_semaphore, #tpu.memory_space<semaphore_mem>>)
      %mul3A_91 = arith.constant 16 : i32
      %mul3A_92 = arith.muli %scan3A_25, %mul3A_91 : i32
      %add3A_93 = arith.constant 1 : i32
      %add3A_94 = arith.addi %mul3A_92, %add3A_93 : i32
      %slice3A_95 = vector.extract_strided_slice %get3A_30 {offsets = [1], sizes = [1], strides = [1]} : vector<16xi32> to vector<1xi32>
      %squeeze3A_96 = vector.extract %slice3A_95[0] : i32 from vector<1xi32>
      %slice3A_97 = vector.extract_strided_slice %get3A_35 {offsets = [1], sizes = [1], strides = [1]} : vector<16xi32> to vector<1xi32>
      %squeeze3A_98 = vector.extract %slice3A_97[0] : i32 from vector<1xi32>
      %jit3A_99 = arith.constant 8 : i32
      %div3A_100 = arith.divsi %add3A_94, %jit3A_99 : i32
      %sign3A_101 = arith.constant 0 : i32
      %sign3A_102 = arith.cmpi sgt, %add3A_94, %sign3A_101 : i32
      %sign3A_103 = arith.extui %sign3A_102 : i1 to i32
      %sign3A_104 = arith.constant 0 : i32
      %sign3A_105 = arith.cmpi slt, %add3A_94, %sign3A_104 : i32
      %sign3A_106 = arith.extui %sign3A_105 : i1 to i32
      %sign3A_107 = arith.subi %sign3A_103, %sign3A_106 : i32
      %sign3A_108 = arith.constant 0 : i32
      %sign3A_109 = arith.cmpi sgt, %jit3A_99, %sign3A_108 : i32
      %sign3A_110 = arith.extui %sign3A_109 : i1 to i32
      %sign3A_111 = arith.constant 0 : i32
      %sign3A_112 = arith.cmpi slt, %jit3A_99, %sign3A_111 : i32
      %sign3A_113 = arith.extui %sign3A_112 : i1 to i32
      %sign3A_114 = arith.subi %sign3A_110, %sign3A_113 : i32
      %ne3A_115 = arith.cmpi ne, %sign3A_107, %sign3A_114 : i32
      %rem3A_116 = arith.remsi %add3A_94, %jit3A_99 : i32
      %ne3A_117 = arith.constant 0 : i32
      %ne3A_118 = arith.cmpi ne, %rem3A_116, %ne3A_117 : i32
      %and3A_119 = arith.andi %ne3A_115, %ne3A_118 : i1
      %sub3A_120 = arith.constant 1 : i32
      %sub3A_121 = arith.subi %div3A_100, %sub3A_120 : i32
      %select_n3A_122 = arith.select %and3A_119, %sub3A_121, %div3A_100 : i32
      %jit3A_123 = arith.constant 8 : i32
      %eq3A_124 = arith.constant 0 : i32
      %eq3A_125 = arith.cmpi eq, %jit3A_123, %eq3A_124 : i32
      %jit3A_126 = arith.constant 1 : i32
      %select_n3A_127 = arith.select %eq3A_125, %jit3A_126, %jit3A_123 : i32
      %rem3A_128 = arith.remsi %add3A_94, %select_n3A_127 : i32
      %ne3A_129 = arith.constant 0 : i32
      %ne3A_130 = arith.cmpi ne, %rem3A_128, %ne3A_129 : i32
      %lt3A_131 = arith.constant 0 : i32
      %lt3A_132 = arith.cmpi slt, %rem3A_128, %lt3A_131 : i32
      %lt3A_133 = arith.constant 0 : i32
      %lt3A_134 = arith.cmpi slt, %select_n3A_127, %lt3A_133 : i32
      %ne3A_135 = arith.xori %lt3A_132, %lt3A_134 : i1
      %and3A_136 = arith.andi %ne3A_135, %ne3A_130 : i1
      %add3A_137 = arith.addi %rem3A_128, %select_n3A_127 : i32
      %select_n3A_138 = arith.select %and3A_136, %add3A_137, %rem3A_128 : i32
      %dma_start3A_139 = arith.constant 0 : i32
      %dma_start3A_140 = tpu.memref_slice %arg8[%select_n3A_122, %select_n3A_138, %dma_start3A_139] : memref<64x8x64xf32, #tpu.memory_space<vmem>> -> memref<1x1x64xf32, #tpu.memory_space<vmem>>
      %dma_start3A_141 = tpu.memref_squeeze %dma_start3A_140 : memref<1x1x64xf32, #tpu.memory_space<vmem>> -> memref<64xf32, #tpu.memory_space<vmem>>
      %dma_start3A_142 = arith.constant 0 : i32
      %dma_start3A_143 = tpu.memref_slice %arg4[%squeeze3A_96, %squeeze3A_98, %dma_start3A_142] : memref<125000x8x64xf32, #tpu.memory_space<hbm>> -> memref<1x1x64xf32, #tpu.memory_space<hbm>>
      %dma_start3A_144 = tpu.memref_squeeze %dma_start3A_143 : memref<1x1x64xf32, #tpu.memory_space<hbm>> -> memref<64xf32, #tpu.memory_space<hbm>>
      %dma_start3A_145 = arith.constant 0 : i32
      %dma_start3A_146 = tpu.memref_slice %arg8[%select_n3A_122, %select_n3A_138, %dma_start3A_145] : memref<64x8x64xf32, #tpu.memory_space<vmem>> -> memref<1x1x64xf32, #tpu.memory_space<vmem>>
      %dma_start3A_147 = tpu.memref_squeeze %dma_start3A_146 : memref<1x1x64xf32, #tpu.memory_space<vmem>> -> memref<64xf32, #tpu.memory_space<vmem>>
      %dma_start3A_148 = arith.constant 0 : i32
      %dma_start3A_149 = tpu.memref_slice %arg4[%squeeze3A_96, %squeeze3A_98, %dma_start3A_148] : memref<125000x8x64xf32, #tpu.memory_space<hbm>> -> memref<1x1x64xf32, #tpu.memory_space<hbm>>
      %dma_start3A_150 = tpu.memref_squeeze %dma_start3A_149 : memref<1x1x64xf32, #tpu.memory_space<hbm>> -> memref<64xf32, #tpu.memory_space<hbm>>
      tpu.enqueue_dma source(%dma_start3A_150 : memref<64xf32, #tpu.memory_space<hbm>>) target(%dma_start3A_147 : memref<64xf32, #tpu.memory_space<vmem>>) target_semaphore(%arg9 : memref<!tpu.dma_semaphore, #tpu.memory_space<semaphore_mem>>)
      %mul3A_151 = arith.constant 16 : i32
      %mul3A_152 = arith.muli %scan3A_25, %mul3A_151 : i32
      %add3A_153 = arith.constant 2 : i32
      %add3A_154 = arith.addi %mul3A_152, %add3A_153 : i32
      %slice3A_155 = vector.extract_strided_slice %get3A_30 {offsets = [2], sizes = [1], strides = [1]} : vector<16xi32> to vector<1xi32>
      %squeeze3A_156 = vector.extract %slice3A_155[0] : i32 from vector<1xi32>
      %slice3A_157 = vector.extract_strided_slice %get3A_35 {offsets = [2], sizes = [1], strides = [1]} : vector<16xi32> to vector<1xi32>
      %squeeze3A_158 = vector.extract %slice3A_157[0] : i32 from vector<1xi32>
      %jit3A_159 = arith.constant 8 : i32
      %div3A_160 = arith.divsi %add3A_154, %jit3A_159 : i32
      %sign3A_161 = arith.constant 0 : i32
      %sign3A_162 = arith.cmpi sgt, %add3A_154, %sign3A_161 : i32
      %sign3A_163 = arith.extui %sign3A_162 : i1 to i32
      %sign3A_164 = arith.constant 0 : i32
      %sign3A_165 = arith.cmpi slt, %add3A_154, %sign3A_164 : i32
      %sign3A_166 = arith.extui %sign3A_165 : i1 to i32
      %sign3A_167 = arith.subi %sign3A_163, %sign3A_166 : i32
      %sign3A_168 = arith.constant 0 : i32
      %sign3A_169 = arith.cmpi sgt, %jit3A_159, %sign3A_168 : i32
      %sign3A_170 = arith.extui %sign3A_169 : i1 to i32
      %sign3A_171 = arith.constant 0 : i32
      %sign3A_172 = arith.cmpi slt, %jit3A_159, %sign3A_171 : i32
      %sign3A_173 = arith.extui %sign3A_172 : i1 to i32
      %sign3A_174 = arith.subi %sign3A_170, %sign3A_173 : i32
      %ne3A_175 = arith.cmpi ne, %sign3A_167, %sign3A_174 : i32
      %rem3A_176 = arith.remsi %add3A_154, %jit3A_159 : i32
      %ne3A_177 = arith.constant 0 : i32
      %ne3A_178 = arith.cmpi ne, %rem3A_176, %ne3A_177 : i32
      %and3A_179 = arith.andi %ne3A_175, %ne3A_178 : i1
      %sub3A_180 = arith.constant 1 : i32
      %sub3A_181 = arith.subi %div3A_160, %sub3A_180 : i32
      %select_n3A_182 = arith.select %and3A_179, %sub3A_181, %div3A_160 : i32
      %jit3A_183 = arith.constant 8 : i32
      %eq3A_184 = arith.constant 0 : i32
      %eq3A_185 = arith.cmpi eq, %jit3A_183, %eq3A_184 : i32
      %jit3A_186 = arith.constant 1 : i32
      %select_n3A_187 = arith.select %eq3A_185, %jit3A_186, %jit3A_183 : i32
      %rem3A_188 = arith.remsi %add3A_154, %select_n3A_187 : i32
      %ne3A_189 = arith.constant 0 : i32
      %ne3A_190 = arith.cmpi ne, %rem3A_188, %ne3A_189 : i32
      %lt3A_191 = arith.constant 0 : i32
      %lt3A_192 = arith.cmpi slt, %rem3A_188, %lt3A_191 : i32
      %lt3A_193 = arith.constant 0 : i32
      %lt3A_194 = arith.cmpi slt, %select_n3A_187, %lt3A_193 : i32
      %ne3A_195 = arith.xori %lt3A_192, %lt3A_194 : i1
      %and3A_196 = arith.andi %ne3A_195, %ne3A_190 : i1
      %add3A_197 = arith.addi %rem3A_188, %select_n3A_187 : i32
      %select_n3A_198 = arith.select %and3A_196, %add3A_197, %rem3A_188 : i32
      %dma_start3A_199 = arith.constant 0 : i32
      %dma_start3A_200 = tpu.memref_slice %arg8[%select_n3A_182, %select_n3A_198, %dma_start3A_199] : memref<64x8x64xf32, #tpu.memory_space<vmem>> -> memref<1x1x64xf32, #tpu.memory_space<vmem>>
      %dma_start3A_201 = tpu.memref_squeeze %dma_start3A_200 : memref<1x1x64xf32, #tpu.memory_space<vmem>> -> memref<64xf32, #tpu.memory_space<vmem>>
      %dma_start3A_202 = arith.constant 0 : i32
      %dma_start3A_203 = tpu.memref_slice %arg4[%squeeze3A_156, %squeeze3A_158, %dma_start3A_202] : memref<125000x8x64xf32, #tpu.memory_space<hbm>> -> memref<1x1x64xf32, #tpu.memory_space<hbm>>
      %dma_start3A_204 = tpu.memref_squeeze %dma_start3A_203 : memref<1x1x64xf32, #tpu.memory_space<hbm>> -> memref<64xf32, #tpu.memory_space<hbm>>
      %dma_start3A_205 = arith.constant 0 : i32
      %dma_start3A_206 = tpu.memref_slice %arg8[%select_n3A_182, %select_n3A_198, %dma_start3A_205] : memref<64x8x64xf32, #tpu.memory_space<vmem>> -> memref<1x1x64xf32, #tpu.memory_space<vmem>>
      %dma_start3A_207 = tpu.memref_squeeze %dma_start3A_206 : memref<1x1x64xf32, #tpu.memory_space<vmem>> -> memref<64xf32, #tpu.memory_space<vmem>>
      %dma_start3A_208 = arith.constant 0 : i32
      %dma_start3A_209 = tpu.memref_slice %arg4[%squeeze3A_156, %squeeze3A_158, %dma_start3A_208] : memref<125000x8x64xf32, #tpu.memory_space<hbm>> -> memref<1x1x64xf32, #tpu.memory_space<hbm>>
      %dma_start3A_210 = tpu.memref_squeeze %dma_start3A_209 : memref<1x1x64xf32, #tpu.memory_space<hbm>> -> memref<64xf32, #tpu.memory_space<hbm>>
      tpu.enqueue_dma source(%dma_start3A_210 : memref<64xf32, #tpu.memory_space<hbm>>) target(%dma_start3A_207 : memref<64xf32, #tpu.memory_space<vmem>>) target_semaphore(%arg9 : memref<!tpu.dma_semaphore, #tpu.memory_space<semaphore_mem>>)
      %mul3A_211 = arith.constant 16 : i32
      %mul3A_212 = arith.muli %scan3A_25, %mul3A_211 : i32
      %add3A_213 = arith.constant 3 : i32
      %add3A_214 = arith.addi %mul3A_212, %add3A_213 : i32
      %slice3A_215 = vector.extract_strided_slice %get3A_30 {offsets = [3], sizes = [1], strides = [1]} : vector<16xi32> to vector<1xi32>
      %squeeze3A_216 = vector.extract %slice3A_215[0] : i32 from vector<1xi32>
      %slice3A_217 = vector.extract_strided_slice %get3A_35 {offsets = [3], sizes = [1], strides = [1]} : vector<16xi32> to vector<1xi32>
      %squeeze3A_218 = vector.extract %slice3A_217[0] : i32 from vector<1xi32>
      %jit3A_219 = arith.constant 8 : i32
      %div3A_220 = arith.divsi %add3A_214, %jit3A_219 : i32
      %sign3A_221 = arith.constant 0 : i32
      %sign3A_222 = arith.cmpi sgt, %add3A_214, %sign3A_221 : i32
      %sign3A_223 = arith.extui %sign3A_222 : i1 to i32
      %sign3A_224 = arith.constant 0 : i32
      %sign3A_225 = arith.cmpi slt, %add3A_214, %sign3A_224 : i32
      %sign3A_226 = arith.extui %sign3A_225 : i1 to i32
      %sign3A_227 = arith.subi %sign3A_223, %sign3A_226 : i32
      %sign3A_228 = arith.constant 0 : i32
      %sign3A_229 = arith.cmpi sgt, %jit3A_219, %sign3A_228 : i32
      %sign3A_230 = arith.extui %sign3A_229 : i1 to i32
      %sign3A_231 = arith.constant 0 : i32
      %sign3A_232 = arith.cmpi slt, %jit3A_219, %sign3A_231 : i32
      %sign3A_233 = arith.extui %sign3A_232 : i1 to i32
      %sign3A_234 = arith.subi %sign3A_230, %sign3A_233 : i32
      %ne3A_235 = arith.cmpi ne, %sign3A_227, %sign3A_234 : i32
      %rem3A_236 = arith.remsi %add3A_214, %jit3A_219 : i32
      %ne3A_237 = arith.constant 0 : i32
      %ne3A_238 = arith.cmpi ne, %rem3A_236, %ne3A_237 : i32
      %and3A_239 = arith.andi %ne3A_235, %ne3A_238 : i1
      %sub3A_240 = arith.constant 1 : i32
      %sub3A_241 = arith.subi %div3A_220, %sub3A_240 : i32
      %select_n3A_242 = arith.select %and3A_239, %sub3A_241, %div3A_220 : i32
      %jit3A_243 = arith.constant 8 : i32
      %eq3A_244 = arith.constant 0 : i32
      %eq3A_245 = arith.cmpi eq, %jit3A_243, %eq3A_244 : i32
      %jit3A_246 = arith.constant 1 : i32
      %select_n3A_247 = arith.select %eq3A_245, %jit3A_246, %jit3A_243 : i32
      %rem3A_248 = arith.remsi %add3A_214, %select_n3A_247 : i32
      %ne3A_249 = arith.constant 0 : i32
      %ne3A_250 = arith.cmpi ne, %rem3A_248, %ne3A_249 : i32
      %lt3A_251 = arith.constant 0 : i32
      %lt3A_252 = arith.cmpi slt, %rem3A_248, %lt3A_251 : i32
      %lt3A_253 = arith.constant 0 : i32
      %lt3A_254 = arith.cmpi slt, %select_n3A_247, %lt3A_253 : i32
      %ne3A_255 = arith.xori %lt3A_252, %lt3A_254 : i1
      %and3A_256 = arith.andi %ne3A_255, %ne3A_250 : i1
      %add3A_257 = arith.addi %rem3A_248, %select_n3A_247 : i32
      %select_n3A_258 = arith.select %and3A_256, %add3A_257, %rem3A_248 : i32
      %dma_start3A_259 = arith.constant 0 : i32
      %dma_start3A_260 = tpu.memref_slice %arg8[%select_n3A_242, %select_n3A_258, %dma_start3A_259] : memref<64x8x64xf32, #tpu.memory_space<vmem>> -> memref<1x1x64xf32, #tpu.memory_space<vmem>>
      %dma_start3A_261 = tpu.memref_squeeze %dma_start3A_260 : memref<1x1x64xf32, #tpu.memory_space<vmem>> -> memref<64xf32, #tpu.memory_space<vmem>>
      %dma_start3A_262 = arith.constant 0 : i32
      %dma_start3A_263 = tpu.memref_slice %arg4[%squeeze3A_216, %squeeze3A_218, %dma_start3A_262] : memref<125000x8x64xf32, #tpu.memory_space<hbm>> -> memref<1x1x64xf32, #tpu.memory_space<hbm>>
      %dma_start3A_264 = tpu.memref_squeeze %dma_start3A_263 : memref<1x1x64xf32, #tpu.memory_space<hbm>> -> memref<64xf32, #tpu.memory_space<hbm>>
      %dma_start3A_265 = arith.constant 0 : i32
      %dma_start3A_266 = tpu.memref_slice %arg8[%select_n3A_242, %select_n3A_258, %dma_start3A_265] : memref<64x8x64xf32, #tpu.memory_space<vmem>> -> memref<1x1x64xf32, #tpu.memory_space<vmem>>
      %dma_start3A_267 = tpu.memref_squeeze %dma_start3A_266 : memref<1x1x64xf32, #tpu.memory_space<vmem>> -> memref<64xf32, #tpu.memory_space<vmem>>
      %dma_start3A_268 = arith.constant 0 : i32
      %dma_start3A_269 = tpu.memref_slice %arg4[%squeeze3A_216, %squeeze3A_218, %dma_start3A_268] : memref<125000x8x64xf32, #tpu.memory_space<hbm>> -> memref<1x1x64xf32, #tpu.memory_space<hbm>>
      %dma_start3A_270 = tpu.memref_squeeze %dma_start3A_269 : memref<1x1x64xf32, #tpu.memory_space<hbm>> -> memref<64xf32, #tpu.memory_space<hbm>>
      tpu.enqueue_dma source(%dma_start3A_270 : memref<64xf32, #tpu.memory_space<hbm>>) target(%dma_start3A_267 : memref<64xf32, #tpu.memory_space<vmem>>) target_semaphore(%arg9 : memref<!tpu.dma_semaphore, #tpu.memory_space<semaphore_mem>>)
      %mul3A_271 = arith.constant 16 : i32
      %mul3A_272 = arith.muli %scan3A_25, %mul3A_271 : i32
      %add3A_273 = arith.constant 4 : i32
      %add3A_274 = arith.addi %mul3A_272, %add3A_273 : i32
      %slice3A_275 = vector.extract_strided_slice %get3A_30 {offsets = [4], sizes = [1], strides = [1]} : vector<16xi32> to vector<1xi32>
      %squeeze3A_276 = vector.extract %slice3A_275[0] : i32 from vector<1xi32>
      %slice3A_277 = vector.extract_strided_slice %get3A_35 {offsets = [4], sizes = [1], strides = [1]} : vector<16xi32> to vector<1xi32>
      %squeeze3A_278 = vector.extract %slice3A_277[0] : i32 from vector<1xi32>
      %jit3A_279 = arith.constant 8 : i32
      %div3A_280 = arith.divsi %add3A_274, %jit3A_279 : i32
      %sign3A_281 = arith.constant 0 : i32
      %sign3A_282 = arith.cmpi sgt, %add3A_274, %sign3A_281 : i32
      %sign3A_283 = arith.extui %sign3A_282 : i1 to i32
      %sign3A_284 = arith.constant 0 : i32
      %sign3A_285 = arith.cmpi slt, %add3A_274, %sign3A_284 : i32
      %sign3A_286 = arith.extui %sign3A_285 : i1 to i32
      %sign3A_287 = arith.subi %sign3A_283, %sign3A_286 : i32
      %sign3A_288 = arith.constant 0 : i32
      %sign3A_289 = arith.cmpi sgt, %jit3A_279, %sign3A_288 : i32
      %sign3A_290 = arith.extui %sign3A_289 : i1 to i32
      %sign3A_291 = arith.constant 0 : i32
      %sign3A_292 = arith.cmpi slt, %jit3A_279, %sign3A_291 : i32
      %sign3A_293 = arith.extui %sign3A_292 : i1 to i32
      %sign3A_294 = arith.subi %sign3A_290, %sign3A_293 : i32
      %ne3A_295 = arith.cmpi ne, %sign3A_287, %sign3A_294 : i32
      %rem3A_296 = arith.remsi %add3A_274, %jit3A_279 : i32
      %ne3A_297 = arith.constant 0 : i32
      %ne3A_298 = arith.cmpi ne, %rem3A_296, %ne3A_297 : i32
      %and3A_299 = arith.andi %ne3A_295, %ne3A_298 : i1
      %sub3A_300 = arith.constant 1 : i32
      %sub3A_301 = arith.subi %div3A_280, %sub3A_300 : i32
      %select_n3A_302 = arith.select %and3A_299, %sub3A_301, %div3A_280 : i32
      %jit3A_303 = arith.constant 8 : i32
      %eq3A_304 = arith.constant 0 : i32
      %eq3A_305 = arith.cmpi eq, %jit3A_303, %eq3A_304 : i32
      %jit3A_306 = arith.constant 1 : i32
      %select_n3A_307 = arith.select %eq3A_305, %jit3A_306, %jit3A_303 : i32
      %rem3A_308 = arith.remsi %add3A_274, %select_n3A_307 : i32
      %ne3A_309 = arith.constant 0 : i32
      %ne3A_310 = arith.cmpi ne, %rem3A_308, %ne3A_309 : i32
      %lt3A_311 = arith.constant 0 : i32
      %lt3A_312 = arith.cmpi slt, %rem3A_308, %lt3A_311 : i32
      %lt3A_313 = arith.constant 0 : i32
      %lt3A_314 = arith.cmpi slt, %select_n3A_307, %lt3A_313 : i32
      %ne3A_315 = arith.xori %lt3A_312, %lt3A_314 : i1
      %and3A_316 = arith.andi %ne3A_315, %ne3A_310 : i1
      %add3A_317 = arith.addi %rem3A_308, %select_n3A_307 : i32
      %select_n3A_318 = arith.select %and3A_316, %add3A_317, %rem3A_308 : i32
      %dma_start3A_319 = arith.constant 0 : i32
      %dma_start3A_320 = tpu.memref_slice %arg8[%select_n3A_302, %select_n3A_318, %dma_start3A_319] : memref<64x8x64xf32, #tpu.memory_space<vmem>> -> memref<1x1x64xf32, #tpu.memory_space<vmem>>
      %dma_start3A_321 = tpu.memref_squeeze %dma_start3A_320 : memref<1x1x64xf32, #tpu.memory_space<vmem>> -> memref<64xf32, #tpu.memory_space<vmem>>
      %dma_start3A_322 = arith.constant 0 : i32
      %dma_start3A_323 = tpu.memref_slice %arg4[%squeeze3A_276, %squeeze3A_278, %dma_start3A_322] : memref<125000x8x64xf32, #tpu.memory_space<hbm>> -> memref<1x1x64xf32, #tpu.memory_space<hbm>>
      %dma_start3A_324 = tpu.memref_squeeze %dma_start3A_323 : memref<1x1x64xf32, #tpu.memory_space<hbm>> -> memref<64xf32, #tpu.memory_space<hbm>>
      %dma_start3A_325 = arith.constant 0 : i32
      %dma_start3A_326 = tpu.memref_slice %arg8[%select_n3A_302, %select_n3A_318, %dma_start3A_325] : memref<64x8x64xf32, #tpu.memory_space<vmem>> -> memref<1x1x64xf32, #tpu.memory_space<vmem>>
      %dma_start3A_327 = tpu.memref_squeeze %dma_start3A_326 : memref<1x1x64xf32, #tpu.memory_space<vmem>> -> memref<64xf32, #tpu.memory_space<vmem>>
      %dma_start3A_328 = arith.constant 0 : i32
      %dma_start3A_329 = tpu.memref_slice %arg4[%squeeze3A_276, %squeeze3A_278, %dma_start3A_328] : memref<125000x8x64xf32, #tpu.memory_space<hbm>> -> memref<1x1x64xf32, #tpu.memory_space<hbm>>
      %dma_start3A_330 = tpu.memref_squeeze %dma_start3A_329 : memref<1x1x64xf32, #tpu.memory_space<hbm>> -> memref<64xf32, #tpu.memory_space<hbm>>
      tpu.enqueue_dma source(%dma_start3A_330 : memref<64xf32, #tpu.memory_space<hbm>>) target(%dma_start3A_327 : memref<64xf32, #tpu.memory_space<vmem>>) target_semaphore(%arg9 : memref<!tpu.dma_semaphore, #tpu.memory_space<semaphore_mem>>)
      %mul3A_331 = arith.constant 16 : i32
      %mul3A_332 = arith.muli %scan3A_25, %mul3A_331 : i32
      %add3A_333 = arith.constant 5 : i32
      %add3A_334 = arith.addi %mul3A_332, %add3A_333 : i32
      %slice3A_335 = vector.extract_strided_slice %get3A_30 {offsets = [5], sizes = [1], strides = [1]} : vector<16xi32> to vector<1xi32>
      %squeeze3A_336 = vector.extract %slice3A_335[0] : i32 from vector<1xi32>
      %slice3A_337 = vector.extract_strided_slice %get3A_35 {offsets = [5], sizes = [1], strides = [1]} : vector<16xi32> to vector<1xi32>
      %squeeze3A_338 = vector.extract %slice3A_337[0] : i32 from vector<1xi32>
      %jit3A_339 = arith.constant 8 : i32
      %div3A_340 = arith.divsi %add3A_334, %jit3A_339 : i32
      %sign3A_341 = arith.constant 0 : i32
      %sign3A_342 = arith.cmpi sgt, %add3A_334, %sign3A_341 : i32
      %sign3A_343 = arith.extui %sign3A_342 : i1 to i32
      %sign3A_344 = arith.constant 0 : i32
      %sign3A_345 = arith.cmpi slt, %add3A_334, %sign3A_344 : i32
      %sign3A_346 = arith.extui %sign3A_345 : i1 to i32
      %sign3A_347 = arith.subi %sign3A_343, %sign3A_346 : i32
      %sign3A_348 = arith.constant 0 : i32
      %sign3A_349 = arith.cmpi sgt, %jit3A_339, %sign3A_348 : i32
      %sign3A_350 = arith.extui %sign3A_349 : i1 to i32
      %sign3A_351 = arith.constant 0 : i32
      %sign3A_352 = arith.cmpi slt, %jit3A_339, %sign3A_351 : i32
      %sign3A_353 = arith.extui %sign3A_352 : i1 to i32
      %sign3A_354 = arith.subi %sign3A_350, %sign3A_353 : i32
      %ne3A_355 = arith.cmpi ne, %sign3A_347, %sign3A_354 : i32
      %rem3A_356 = arith.remsi %add3A_334, %jit3A_339 : i32
      %ne3A_357 = arith.constant 0 : i32
      %ne3A_358 = arith.cmpi ne, %rem3A_356, %ne3A_357 : i32
      %and3A_359 = arith.andi %ne3A_355, %ne3A_358 : i1
      %sub3A_360 = arith.constant 1 : i32
      %sub3A_361 = arith.subi %div3A_340, %sub3A_360 : i32
      %select_n3A_362 = arith.select %and3A_359, %sub3A_361, %div3A_340 : i32
      %jit3A_363 = arith.constant 8 : i32
      %eq3A_364 = arith.constant 0 : i32
      %eq3A_365 = arith.cmpi eq, %jit3A_363, %eq3A_364 : i32
      %jit3A_366 = arith.constant 1 : i32
      %select_n3A_367 = arith.select %eq3A_365, %jit3A_366, %jit3A_363 : i32
      %rem3A_368 = arith.remsi %add3A_334, %select_n3A_367 : i32
      %ne3A_369 = arith.constant 0 : i32
      %ne3A_370 = arith.cmpi ne, %rem3A_368, %ne3A_369 : i32
      %lt3A_371 = arith.constant 0 : i32
      %lt3A_372 = arith.cmpi slt, %rem3A_368, %lt3A_371 : i32
      %lt3A_373 = arith.constant 0 : i32
      %lt3A_374 = arith.cmpi slt, %select_n3A_367, %lt3A_373 : i32
      %ne3A_375 = arith.xori %lt3A_372, %lt3A_374 : i1
      %and3A_376 = arith.andi %ne3A_375, %ne3A_370 : i1
      %add3A_377 = arith.addi %rem3A_368, %select_n3A_367 : i32
      %select_n3A_378 = arith.select %and3A_376, %add3A_377, %rem3A_368 : i32
      %dma_start3A_379 = arith.constant 0 : i32
      %dma_start3A_380 = tpu.memref_slice %arg8[%select_n3A_362, %select_n3A_378, %dma_start3A_379] : memref<64x8x64xf32, #tpu.memory_space<vmem>> -> memref<1x1x64xf32, #tpu.memory_space<vmem>>
      %dma_start3A_381 = tpu.memref_squeeze %dma_start3A_380 : memref<1x1x64xf32, #tpu.memory_space<vmem>> -> memref<64xf32, #tpu.memory_space<vmem>>
      %dma_start3A_382 = arith.constant 0 : i32
      %dma_start3A_383 = tpu.memref_slice %arg4[%squeeze3A_336, %squeeze3A_338, %dma_start3A_382] : memref<125000x8x64xf32, #tpu.memory_space<hbm>> -> memref<1x1x64xf32, #tpu.memory_space<hbm>>
      %dma_start3A_384 = tpu.memref_squeeze %dma_start3A_383 : memref<1x1x64xf32, #tpu.memory_space<hbm>> -> memref<64xf32, #tpu.memory_space<hbm>>
      %dma_start3A_385 = arith.constant 0 : i32
      %dma_start3A_386 = tpu.memref_slice %arg8[%select_n3A_362, %select_n3A_378, %dma_start3A_385] : memref<64x8x64xf32, #tpu.memory_space<vmem>> -> memref<1x1x64xf32, #tpu.memory_space<vmem>>
      %dma_start3A_387 = tpu.memref_squeeze %dma_start3A_386 : memref<1x1x64xf32, #tpu.memory_space<vmem>> -> memref<64xf32, #tpu.memory_space<vmem>>
      %dma_start3A_388 = arith.constant 0 : i32
      %dma_start3A_389 = tpu.memref_slice %arg4[%squeeze3A_336, %squeeze3A_338, %dma_start3A_388] : memref<125000x8x64xf32, #tpu.memory_space<hbm>> -> memref<1x1x64xf32, #tpu.memory_space<hbm>>
      %dma_start3A_390 = tpu.memref_squeeze %dma_start3A_389 : memref<1x1x64xf32, #tpu.memory_space<hbm>> -> memref<64xf32, #tpu.memory_space<hbm>>
      tpu.enqueue_dma source(%dma_start3A_390 : memref<64xf32, #tpu.memory_space<hbm>>) target(%dma_start3A_387 : memref<64xf32, #tpu.memory_space<vmem>>) target_semaphore(%arg9 : memref<!tpu.dma_semaphore, #tpu.memory_space<semaphore_mem>>)
      %mul3A_391 = arith.constant 16 : i32
      %mul3A_392 = arith.muli %scan3A_25, %mul3A_391 : i32
      %add3A_393 = arith.constant 6 : i32
      %add3A_394 = arith.addi %mul3A_392, %add3A_393 : i32
      %slice3A_395 = vector.extract_strided_slice %get3A_30 {offsets = [6], sizes = [1], strides = [1]} : vector<16xi32> to vector<1xi32>
      %squeeze3A_396 = vector.extract %slice3A_395[0] : i32 from vector<1xi32>
      %slice3A_397 = vector.extract_strided_slice %get3A_35 {offsets = [6], sizes = [1], strides = [1]} : vector<16xi32> to vector<1xi32>
      %squeeze3A_398 = vector.extract %slice3A_397[0] : i32 from vector<1xi32>
      %jit3A_399 = arith.constant 8 : i32
      %div3A_400 = arith.divsi %add3A_394, %jit3A_399 : i32
      %sign3A_401 = arith.constant 0 : i32
      %sign3A_402 = arith.cmpi sgt, %add3A_394, %sign3A_401 : i32
      %sign3A_403 = arith.extui %sign3A_402 : i1 to i32
      %sign3A_404 = arith.constant 0 : i32
      %sign3A_405 = arith.cmpi slt, %add3A_394, %sign3A_404 : i32
      %sign3A_406 = arith.extui %sign3A_405 : i1 to i32
      %sign3A_407 = arith.subi %sign3A_403, %sign3A_406 : i32
      %sign3A_408 = arith.constant 0 : i32
      %sign3A_409 = arith.cmpi sgt, %jit3A_399, %sign3A_408 : i32
      %sign3A_410 = arith.extui %sign3A_409 : i1 to i32
      %sign3A_411 = arith.constant 0 : i32
      %sign3A_412 = arith.cmpi slt, %jit3A_399, %sign3A_411 : i32
      %sign3A_413 = arith.extui %sign3A_412 : i1 to i32
      %sign3A_414 = arith.subi %sign3A_410, %sign3A_413 : i32
      %ne3A_415 = arith.cmpi ne, %sign3A_407, %sign3A_414 : i32
      %rem3A_416 = arith.remsi %add3A_394, %jit3A_399 : i32
      %ne3A_417 = arith.constant 0 : i32
      %ne3A_418 = arith.cmpi ne, %rem3A_416, %ne3A_417 : i32
      %and3A_419 = arith.andi %ne3A_415, %ne3A_418 : i1
      %sub3A_420 = arith.constant 1 : i32
      %sub3A_421 = arith.subi %div3A_400, %sub3A_420 : i32
      %select_n3A_422 = arith.select %and3A_419, %sub3A_421, %div3A_400 : i32
      %jit3A_423 = arith.constant 8 : i32
      %eq3A_424 = arith.constant 0 : i32
      %eq3A_425 = arith.cmpi eq, %jit3A_423, %eq3A_424 : i32
      %jit3A_426 = arith.constant 1 : i32
      %select_n3A_427 = arith.select %eq3A_425, %jit3A_426, %jit3A_423 : i32
      %rem3A_428 = arith.remsi %add3A_394, %select_n3A_427 : i32
      %ne3A_429 = arith.constant 0 : i32
      %ne3A_430 = arith.cmpi ne, %rem3A_428, %ne3A_429 : i32
      %lt3A_431 = arith.constant 0 : i32
      %lt3A_432 = arith.cmpi slt, %rem3A_428, %lt3A_431 : i32
      %lt3A_433 = arith.constant 0 : i32
      %lt3A_434 = arith.cmpi slt, %select_n3A_427, %lt3A_433 : i32
      %ne3A_435 = arith.xori %lt3A_432, %lt3A_434 : i1
      %and3A_436 = arith.andi %ne3A_435, %ne3A_430 : i1
      %add3A_437 = arith.addi %rem3A_428, %select_n3A_427 : i32
      %select_n3A_438 = arith.select %and3A_436, %add3A_437, %rem3A_428 : i32
      %dma_start3A_439 = arith.constant 0 : i32
      %dma_start3A_440 = tpu.memref_slice %arg8[%select_n3A_422, %select_n3A_438, %dma_start3A_439] : memref<64x8x64xf32, #tpu.memory_space<vmem>> -> memref<1x1x64xf32, #tpu.memory_space<vmem>>
      %dma_start3A_441 = tpu.memref_squeeze %dma_start3A_440 : memref<1x1x64xf32, #tpu.memory_space<vmem>> -> memref<64xf32, #tpu.memory_space<vmem>>
      %dma_start3A_442 = arith.constant 0 : i32
      %dma_start3A_443 = tpu.memref_slice %arg4[%squeeze3A_396, %squeeze3A_398, %dma_start3A_442] : memref<125000x8x64xf32, #tpu.memory_space<hbm>> -> memref<1x1x64xf32, #tpu.memory_space<hbm>>
      %dma_start3A_444 = tpu.memref_squeeze %dma_start3A_443 : memref<1x1x64xf32, #tpu.memory_space<hbm>> -> memref<64xf32, #tpu.memory_space<hbm>>
      %dma_start3A_445 = arith.constant 0 : i32
      %dma_start3A_446 = tpu.memref_slice %arg8[%select_n3A_422, %select_n3A_438, %dma_start3A_445] : memref<64x8x64xf32, #tpu.memory_space<vmem>> -> memref<1x1x64xf32, #tpu.memory_space<vmem>>
      %dma_start3A_447 = tpu.memref_squeeze %dma_start3A_446 : memref<1x1x64xf32, #tpu.memory_space<vmem>> -> memref<64xf32, #tpu.memory_space<vmem>>
      %dma_start3A_448 = arith.constant 0 : i32
      %dma_start3A_449 = tpu.memref_slice %arg4[%squeeze3A_396, %squeeze3A_398, %dma_start3A_448] : memref<125000x8x64xf32, #tpu.memory_space<hbm>> -> memref<1x1x64xf32, #tpu.memory_space<hbm>>
      %dma_start3A_450 = tpu.memref_squeeze %dma_start3A_449 : memref<1x1x64xf32, #tpu.memory_space<hbm>> -> memref<64xf32, #tpu.memory_space<hbm>>
      tpu.enqueue_dma source(%dma_start3A_450 : memref<64xf32, #tpu.memory_space<hbm>>) target(%dma_start3A_447 : memref<64xf32, #tpu.memory_space<vmem>>) target_semaphore(%arg9 : memref<!tpu.dma_semaphore, #tpu.memory_space<semaphore_mem>>)
      %mul3A_451 = arith.constant 16 : i32
      %mul3A_452 = arith.muli %scan3A_25, %mul3A_451 : i32
      %add3A_453 = arith.constant 7 : i32
      %add3A_454 = arith.addi %mul3A_452, %add3A_453 : i32
      %slice3A_455 = vector.extract_strided_slice %get3A_30 {offsets = [7], sizes = [1], strides = [1]} : vector<16xi32> to vector<1xi32>
      %squeeze3A_456 = vector.extract %slice3A_455[0] : i32 from vector<1xi32>
      %slice3A_457 = vector.extract_strided_slice %get3A_35 {offsets = [7], sizes = [1], strides = [1]} : vector<16xi32> to vector<1xi32>
      %squeeze3A_458 = vector.extract %slice3A_457[0] : i32 from vector<1xi32>
      %jit3A_459 = arith.constant 8 : i32
      %div3A_460 = arith.divsi %add3A_454, %jit3A_459 : i32
      %sign3A_461 = arith.constant 0 : i32
      %sign3A_462 = arith.cmpi sgt, %add3A_454, %sign3A_461 : i32
      %sign3A_463 = arith.extui %sign3A_462 : i1 to i32
      %sign3A_464 = arith.constant 0 : i32
      %sign3A_465 = arith.cmpi slt, %add3A_454, %sign3A_464 : i32
      %sign3A_466 = arith.extui %sign3A_465 : i1 to i32
      %sign3A_467 = arith.subi %sign3A_463, %sign3A_466 : i32
      %sign3A_468 = arith.constant 0 : i32
      %sign3A_469 = arith.cmpi sgt, %jit3A_459, %sign3A_468 : i32
      %sign3A_470 = arith.extui %sign3A_469 : i1 to i32
      %sign3A_471 = arith.constant 0 : i32
      %sign3A_472 = arith.cmpi slt, %jit3A_459, %sign3A_471 : i32
      %sign3A_473 = arith.extui %sign3A_472 : i1 to i32
      %sign3A_474 = arith.subi %sign3A_470, %sign3A_473 : i32
      %ne3A_475 = arith.cmpi ne, %sign3A_467, %sign3A_474 : i32
      %rem3A_476 = arith.remsi %add3A_454, %jit3A_459 : i32
      %ne3A_477 = arith.constant 0 : i32
      %ne3A_478 = arith.cmpi ne, %rem3A_476, %ne3A_477 : i32
      %and3A_479 = arith.andi %ne3A_475, %ne3A_478 : i1
      %sub3A_480 = arith.constant 1 : i32
      %sub3A_481 = arith.subi %div3A_460, %sub3A_480 : i32
      %select_n3A_482 = arith.select %and3A_479, %sub3A_481, %div3A_460 : i32
      %jit3A_483 = arith.constant 8 : i32
      %eq3A_484 = arith.constant 0 : i32
      %eq3A_485 = arith.cmpi eq, %jit3A_483, %eq3A_484 : i32
      %jit3A_486 = arith.constant 1 : i32
      %select_n3A_487 = arith.select %eq3A_485, %jit3A_486, %jit3A_483 : i32
      %rem3A_488 = arith.remsi %add3A_454, %select_n3A_487 : i32
      %ne3A_489 = arith.constant 0 : i32
      %ne3A_490 = arith.cmpi ne, %rem3A_488, %ne3A_489 : i32
      %lt3A_491 = arith.constant 0 : i32
      %lt3A_492 = arith.cmpi slt, %rem3A_488, %lt3A_491 : i32
      %lt3A_493 = arith.constant 0 : i32
      %lt3A_494 = arith.cmpi slt, %select_n3A_487, %lt3A_493 : i32
      %ne3A_495 = arith.xori %lt3A_492, %lt3A_494 : i1
      %and3A_496 = arith.andi %ne3A_495, %ne3A_490 : i1
      %add3A_497 = arith.addi %rem3A_488, %select_n3A_487 : i32
      %select_n3A_498 = arith.select %and3A_496, %add3A_497, %rem3A_488 : i32
      %dma_start3A_499 = arith.constant 0 : i32
      %dma_start3A_500 = tpu.memref_slice %arg8[%select_n3A_482, %select_n3A_498, %dma_start3A_499] : memref<64x8x64xf32, #tpu.memory_space<vmem>> -> memref<1x1x64xf32, #tpu.memory_space<vmem>>
      %dma_start3A_501 = tpu.memref_squeeze %dma_start3A_500 : memref<1x1x64xf32, #tpu.memory_space<vmem>> -> memref<64xf32, #tpu.memory_space<vmem>>
      %dma_start3A_502 = arith.constant 0 : i32
      %dma_start3A_503 = tpu.memref_slice %arg4[%squeeze3A_456, %squeeze3A_458, %dma_start3A_502] : memref<125000x8x64xf32, #tpu.memory_space<hbm>> -> memref<1x1x64xf32, #tpu.memory_space<hbm>>
      %dma_start3A_504 = tpu.memref_squeeze %dma_start3A_503 : memref<1x1x64xf32, #tpu.memory_space<hbm>> -> memref<64xf32, #tpu.memory_space<hbm>>
      %dma_start3A_505 = arith.constant 0 : i32
      %dma_start3A_506 = tpu.memref_slice %arg8[%select_n3A_482, %select_n3A_498, %dma_start3A_505] : memref<64x8x64xf32, #tpu.memory_space<vmem>> -> memref<1x1x64xf32, #tpu.memory_space<vmem>>
      %dma_start3A_507 = tpu.memref_squeeze %dma_start3A_506 : memref<1x1x64xf32, #tpu.memory_space<vmem>> -> memref<64xf32, #tpu.memory_space<vmem>>
      %dma_start3A_508 = arith.constant 0 : i32
      %dma_start3A_509 = tpu.memref_slice %arg4[%squeeze3A_456, %squeeze3A_458, %dma_start3A_508] : memref<125000x8x64xf32, #tpu.memory_space<hbm>> -> memref<1x1x64xf32, #tpu.memory_space<hbm>>
      %dma_start3A_510 = tpu.memref_squeeze %dma_start3A_509 : memref<1x1x64xf32, #tpu.memory_space<hbm>> -> memref<64xf32, #tpu.memory_space<hbm>>
      tpu.enqueue_dma source(%dma_start3A_510 : memref<64xf32, #tpu.memory_space<hbm>>) target(%dma_start3A_507 : memref<64xf32, #tpu.memory_space<vmem>>) target_semaphore(%arg9 : memref<!tpu.dma_semaphore, #tpu.memory_space<semaphore_mem>>)
      %mul3A_511 = arith.constant 16 : i32
      %mul3A_512 = arith.muli %scan3A_25, %mul3A_511 : i32
      %add3A_513 = arith.constant 8 : i32
      %add3A_514 = arith.addi %mul3A_512, %add3A_513 : i32
      %slice3A_515 = vector.extract_strided_slice %get3A_30 {offsets = [8], sizes = [1], strides = [1]} : vector<16xi32> to vector<1xi32>
      %squeeze3A_516 = vector.extract %slice3A_515[0] : i32 from vector<1xi32>
      %slice3A_517 = vector.extract_strided_slice %get3A_35 {offsets = [8], sizes = [1], strides = [1]} : vector<16xi32> to vector<1xi32>
      %squeeze3A_518 = vector.extract %slice3A_517[0] : i32 from vector<1xi32>
      %jit3A_519 = arith.constant 8 : i32
      %div3A_520 = arith.divsi %add3A_514, %jit3A_519 : i32
      %sign3A_521 = arith.constant 0 : i32
      %sign3A_522 = arith.cmpi sgt, %add3A_514, %sign3A_521 : i32
      %sign3A_523 = arith.extui %sign3A_522 : i1 to i32
      %sign3A_524 = arith.constant 0 : i32
      %sign3A_525 = arith.cmpi slt, %add3A_514, %sign3A_524 : i32
      %sign3A_526 = arith.extui %sign3A_525 : i1 to i32
      %sign3A_527 = arith.subi %sign3A_523, %sign3A_526 : i32
      %sign3A_528 = arith.constant 0 : i32
      %sign3A_529 = arith.cmpi sgt, %jit3A_519, %sign3A_528 : i32
      %sign3A_530 = arith.extui %sign3A_529 : i1 to i32
      %sign3A_531 = arith.constant 0 : i32
      %sign3A_532 = arith.cmpi slt, %jit3A_519, %sign3A_531 : i32
      %sign3A_533 = arith.extui %sign3A_532 : i1 to i32
      %sign3A_534 = arith.subi %sign3A_530, %sign3A_533 : i32
      %ne3A_535 = arith.cmpi ne, %sign3A_527, %sign3A_534 : i32
      %rem3A_536 = arith.remsi %add3A_514, %jit3A_519 : i32
      %ne3A_537 = arith.constant 0 : i32
      %ne3A_538 = arith.cmpi ne, %rem3A_536, %ne3A_537 : i32
      %and3A_539 = arith.andi %ne3A_535, %ne3A_538 : i1
      %sub3A_540 = arith.constant 1 : i32
      %sub3A_541 = arith.subi %div3A_520, %sub3A_540 : i32
      %select_n3A_542 = arith.select %and3A_539, %sub3A_541, %div3A_520 : i32
      %jit3A_543 = arith.constant 8 : i32
      %eq3A_544 = arith.constant 0 : i32
      %eq3A_545 = arith.cmpi eq, %jit3A_543, %eq3A_544 : i32
      %jit3A_546 = arith.constant 1 : i32
      %select_n3A_547 = arith.select %eq3A_545, %jit3A_546, %jit3A_543 : i32
      %rem3A_548 = arith.remsi %add3A_514, %select_n3A_547 : i32
      %ne3A_549 = arith.constant 0 : i32
      %ne3A_550 = arith.cmpi ne, %rem3A_548, %ne3A_549 : i32
      %lt3A_551 = arith.constant 0 : i32
      %lt3A_552 = arith.cmpi slt, %rem3A_548, %lt3A_551 : i32
      %lt3A_553 = arith.constant 0 : i32
      %lt3A_554 = arith.cmpi slt, %select_n3A_547, %lt3A_553 : i32
      %ne3A_555 = arith.xori %lt3A_552, %lt3A_554 : i1
      %and3A_556 = arith.andi %ne3A_555, %ne3A_550 : i1
      %add3A_557 = arith.addi %rem3A_548, %select_n3A_547 : i32
      %select_n3A_558 = arith.select %and3A_556, %add3A_557, %rem3A_548 : i32
      %dma_start3A_559 = arith.constant 0 : i32
      %dma_start3A_560 = tpu.memref_slice %arg8[%select_n3A_542, %select_n3A_558, %dma_start3A_559] : memref<64x8x64xf32, #tpu.memory_space<vmem>> -> memref<1x1x64xf32, #tpu.memory_space<vmem>>
      %dma_start3A_561 = tpu.memref_squeeze %dma_start3A_560 : memref<1x1x64xf32, #tpu.memory_space<vmem>> -> memref<64xf32, #tpu.memory_space<vmem>>
      %dma_start3A_562 = arith.constant 0 : i32
      %dma_start3A_563 = tpu.memref_slice %arg4[%squeeze3A_516, %squeeze3A_518, %dma_start3A_562] : memref<125000x8x64xf32, #tpu.memory_space<hbm>> -> memref<1x1x64xf32, #tpu.memory_space<hbm>>
      %dma_start3A_564 = tpu.memref_squeeze %dma_start3A_563 : memref<1x1x64xf32, #tpu.memory_space<hbm>> -> memref<64xf32, #tpu.memory_space<hbm>>
      %dma_start3A_565 = arith.constant 0 : i32
      %dma_start3A_566 = tpu.memref_slice %arg8[%select_n3A_542, %select_n3A_558, %dma_start3A_565] : memref<64x8x64xf32, #tpu.memory_space<vmem>> -> memref<1x1x64xf32, #tpu.memory_space<vmem>>
      %dma_start3A_567 = tpu.memref_squeeze %dma_start3A_566 : memref<1x1x64xf32, #tpu.memory_space<vmem>> -> memref<64xf32, #tpu.memory_space<vmem>>
      %dma_start3A_568 = arith.constant 0 : i32
      %dma_start3A_569 = tpu.memref_slice %arg4[%squeeze3A_516, %squeeze3A_518, %dma_start3A_568] : memref<125000x8x64xf32, #tpu.memory_space<hbm>> -> memref<1x1x64xf32, #tpu.memory_space<hbm>>
      %dma_start3A_570 = tpu.memref_squeeze %dma_start3A_569 : memref<1x1x64xf32, #tpu.memory_space<hbm>> -> memref<64xf32, #tpu.memory_space<hbm>>
      tpu.enqueue_dma source(%dma_start3A_570 : memref<64xf32, #tpu.memory_space<hbm>>) target(%dma_start3A_567 : memref<64xf32, #tpu.memory_space<vmem>>) target_semaphore(%arg9 : memref<!tpu.dma_semaphore, #tpu.memory_space<semaphore_mem>>)
      %mul3A_571 = arith.constant 16 : i32
      %mul3A_572 = arith.muli %scan3A_25, %mul3A_571 : i32
      %add3A_573 = arith.constant 9 : i32
      %add3A_574 = arith.addi %mul3A_572, %add3A_573 : i32
      %slice3A_575 = vector.extract_strided_slice %get3A_30 {offsets = [9], sizes = [1], strides = [1]} : vector<16xi32> to vector<1xi32>
      %squeeze3A_576 = vector.extract %slice3A_575[0] : i32 from vector<1xi32>
      %slice3A_577 = vector.extract_strided_slice %get3A_35 {offsets = [9], sizes = [1], strides = [1]} : vector<16xi32> to vector<1xi32>
      %squeeze3A_578 = vector.extract %slice3A_577[0] : i32 from vector<1xi32>
      %jit3A_579 = arith.constant 8 : i32
      %div3A_580 = arith.divsi %add3A_574, %jit3A_579 : i32
      %sign3A_581 = arith.constant 0 : i32
      %sign3A_582 = arith.cmpi sgt, %add3A_574, %sign3A_581 : i32
      %sign3A_583 = arith.extui %sign3A_582 : i1 to i32
      %sign3A_584 = arith.constant 0 : i32
      %sign3A_585 = arith.cmpi slt, %add3A_574, %sign3A_584 : i32
      %sign3A_586 = arith.extui %sign3A_585 : i1 to i32
      %sign3A_587 = arith.subi %sign3A_583, %sign3A_586 : i32
      %sign3A_588 = arith.constant 0 : i32
      %sign3A_589 = arith.cmpi sgt, %jit3A_579, %sign3A_588 : i32
      %sign3A_590 = arith.extui %sign3A_589 : i1 to i32
      %sign3A_591 = arith.constant 0 : i32
      %sign3A_592 = arith.cmpi slt, %jit3A_579, %sign3A_591 : i32
      %sign3A_593 = arith.extui %sign3A_592 : i1 to i32
      %sign3A_594 = arith.subi %sign3A_590, %sign3A_593 : i32
      %ne3A_595 = arith.cmpi ne, %sign3A_587, %sign3A_594 : i32
      %rem3A_596 = arith.remsi %add3A_574, %jit3A_579 : i32
      %ne3A_597 = arith.constant 0 : i32
      %ne3A_598 = arith.cmpi ne, %rem3A_596, %ne3A_597 : i32
      %and3A_599 = arith.andi %ne3A_595, %ne3A_598 : i1
      %sub3A_600 = arith.constant 1 : i32
      %sub3A_601 = arith.subi %div3A_580, %sub3A_600 : i32
      %select_n3A_602 = arith.select %and3A_599, %sub3A_601, %div3A_580 : i32
      %jit3A_603 = arith.constant 8 : i32
      %eq3A_604 = arith.constant 0 : i32
      %eq3A_605 = arith.cmpi eq, %jit3A_603, %eq3A_604 : i32
      %jit3A_606 = arith.constant 1 : i32
      %select_n3A_607 = arith.select %eq3A_605, %jit3A_606, %jit3A_603 : i32
      %rem3A_608 = arith.remsi %add3A_574, %select_n3A_607 : i32
      %ne3A_609 = arith.constant 0 : i32
      %ne3A_610 = arith.cmpi ne, %rem3A_608, %ne3A_609 : i32
      %lt3A_611 = arith.constant 0 : i32
      %lt3A_612 = arith.cmpi slt, %rem3A_608, %lt3A_611 : i32
      %lt3A_613 = arith.constant 0 : i32
      %lt3A_614 = arith.cmpi slt, %select_n3A_607, %lt3A_613 : i32
      %ne3A_615 = arith.xori %lt3A_612, %lt3A_614 : i1
      %and3A_616 = arith.andi %ne3A_615, %ne3A_610 : i1
      %add3A_617 = arith.addi %rem3A_608, %select_n3A_607 : i32
      %select_n3A_618 = arith.select %and3A_616, %add3A_617, %rem3A_608 : i32
      %dma_start3A_619 = arith.constant 0 : i32
      %dma_start3A_620 = tpu.memref_slice %arg8[%select_n3A_602, %select_n3A_618, %dma_start3A_619] : memref<64x8x64xf32, #tpu.memory_space<vmem>> -> memref<1x1x64xf32, #tpu.memory_space<vmem>>
      %dma_start3A_621 = tpu.memref_squeeze %dma_start3A_620 : memref<1x1x64xf32, #tpu.memory_space<vmem>> -> memref<64xf32, #tpu.memory_space<vmem>>
      %dma_start3A_622 = arith.constant 0 : i32
      %dma_start3A_623 = tpu.memref_slice %arg4[%squeeze3A_576, %squeeze3A_578, %dma_start3A_622] : memref<125000x8x64xf32, #tpu.memory_space<hbm>> -> memref<1x1x64xf32, #tpu.memory_space<hbm>>
      %dma_start3A_624 = tpu.memref_squeeze %dma_start3A_623 : memref<1x1x64xf32, #tpu.memory_space<hbm>> -> memref<64xf32, #tpu.memory_space<hbm>>
      %dma_start3A_625 = arith.constant 0 : i32
      %dma_start3A_626 = tpu.memref_slice %arg8[%select_n3A_602, %select_n3A_618, %dma_start3A_625] : memref<64x8x64xf32, #tpu.memory_space<vmem>> -> memref<1x1x64xf32, #tpu.memory_space<vmem>>
      %dma_start3A_627 = tpu.memref_squeeze %dma_start3A_626 : memref<1x1x64xf32, #tpu.memory_space<vmem>> -> memref<64xf32, #tpu.memory_space<vmem>>
      %dma_start3A_628 = arith.constant 0 : i32
      %dma_start3A_629 = tpu.memref_slice %arg4[%squeeze3A_576, %squeeze3A_578, %dma_start3A_628] : memref<125000x8x64xf32, #tpu.memory_space<hbm>> -> memref<1x1x64xf32, #tpu.memory_space<hbm>>
      %dma_start3A_630 = tpu.memref_squeeze %dma_start3A_629 : memref<1x1x64xf32, #tpu.memory_space<hbm>> -> memref<64xf32, #tpu.memory_space<hbm>>
      tpu.enqueue_dma source(%dma_start3A_630 : memref<64xf32, #tpu.memory_space<hbm>>) target(%dma_start3A_627 : memref<64xf32, #tpu.memory_space<vmem>>) target_semaphore(%arg9 : memref<!tpu.dma_semaphore, #tpu.memory_space<semaphore_mem>>)
      %mul3A_631 = arith.constant 16 : i32
      %mul3A_632 = arith.muli %scan3A_25, %mul3A_631 : i32
      %add3A_633 = arith.constant 10 : i32
      %add3A_634 = arith.addi %mul3A_632, %add3A_633 : i32
      %slice3A_635 = vector.extract_strided_slice %get3A_30 {offsets = [10], sizes = [1], strides = [1]} : vector<16xi32> to vector<1xi32>
      %squeeze3A_636 = vector.extract %slice3A_635[0] : i32 from vector<1xi32>
      %slice3A_637 = vector.extract_strided_slice %get3A_35 {offsets = [10], sizes = [1], strides = [1]} : vector<16xi32> to vector<1xi32>
      %squeeze3A_638 = vector.extract %slice3A_637[0] : i32 from vector<1xi32>
      %jit3A_639 = arith.constant 8 : i32
      %div3A_640 = arith.divsi %add3A_634, %jit3A_639 : i32
      %sign3A_641 = arith.constant 0 : i32
      %sign3A_642 = arith.cmpi sgt, %add3A_634, %sign3A_641 : i32
      %sign3A_643 = arith.extui %sign3A_642 : i1 to i32
      %sign3A_644 = arith.constant 0 : i32
      %sign3A_645 = arith.cmpi slt, %add3A_634, %sign3A_644 : i32
      %sign3A_646 = arith.extui %sign3A_645 : i1 to i32
      %sign3A_647 = arith.subi %sign3A_643, %sign3A_646 : i32
      %sign3A_648 = arith.constant 0 : i32
      %sign3A_649 = arith.cmpi sgt, %jit3A_639, %sign3A_648 : i32
      %sign3A_650 = arith.extui %sign3A_649 : i1 to i32
      %sign3A_651 = arith.constant 0 : i32
      %sign3A_652 = arith.cmpi slt, %jit3A_639, %sign3A_651 : i32
      %sign3A_653 = arith.extui %sign3A_652 : i1 to i32
      %sign3A_654 = arith.subi %sign3A_650, %sign3A_653 : i32
      %ne3A_655 = arith.cmpi ne, %sign3A_647, %sign3A_654 : i32
      %rem3A_656 = arith.remsi %add3A_634, %jit3A_639 : i32
      %ne3A_657 = arith.constant 0 : i32
      %ne3A_658 = arith.cmpi ne, %rem3A_656, %ne3A_657 : i32
      %and3A_659 = arith.andi %ne3A_655, %ne3A_658 : i1
      %sub3A_660 = arith.constant 1 : i32
      %sub3A_661 = arith.subi %div3A_640, %sub3A_660 : i32
      %select_n3A_662 = arith.select %and3A_659, %sub3A_661, %div3A_640 : i32
      %jit3A_663 = arith.constant 8 : i32
      %eq3A_664 = arith.constant 0 : i32
      %eq3A_665 = arith.cmpi eq, %jit3A_663, %eq3A_664 : i32
      %jit3A_666 = arith.constant 1 : i32
      %select_n3A_667 = arith.select %eq3A_665, %jit3A_666, %jit3A_663 : i32
      %rem3A_668 = arith.remsi %add3A_634, %select_n3A_667 : i32
      %ne3A_669 = arith.constant 0 : i32
      %ne3A_670 = arith.cmpi ne, %rem3A_668, %ne3A_669 : i32
      %lt3A_671 = arith.constant 0 : i32
      %lt3A_672 = arith.cmpi slt, %rem3A_668, %lt3A_671 : i32
      %lt3A_673 = arith.constant 0 : i32
      %lt3A_674 = arith.cmpi slt, %select_n3A_667, %lt3A_673 : i32
      %ne3A_675 = arith.xori %lt3A_672, %lt3A_674 : i1
      %and3A_676 = arith.andi %ne3A_675, %ne3A_670 : i1
      %add3A_677 = arith.addi %rem3A_668, %select_n3A_667 : i32
      %select_n3A_678 = arith.select %and3A_676, %add3A_677, %rem3A_668 : i32
      %dma_start3A_679 = arith.constant 0 : i32
      %dma_start3A_680 = tpu.memref_slice %arg8[%select_n3A_662, %select_n3A_678, %dma_start3A_679] : memref<64x8x64xf32, #tpu.memory_space<vmem>> -> memref<1x1x64xf32, #tpu.memory_space<vmem>>
      %dma_start3A_681 = tpu.memref_squeeze %dma_start3A_680 : memref<1x1x64xf32, #tpu.memory_space<vmem>> -> memref<64xf32, #tpu.memory_space<vmem>>
      %dma_start3A_682 = arith.constant 0 : i32
      %dma_start3A_683 = tpu.memref_slice %arg4[%squeeze3A_636, %squeeze3A_638, %dma_start3A_682] : memref<125000x8x64xf32, #tpu.memory_space<hbm>> -> memref<1x1x64xf32, #tpu.memory_space<hbm>>
      %dma_start3A_684 = tpu.memref_squeeze %dma_start3A_683 : memref<1x1x64xf32, #tpu.memory_space<hbm>> -> memref<64xf32, #tpu.memory_space<hbm>>
      %dma_start3A_685 = arith.constant 0 : i32
      %dma_start3A_686 = tpu.memref_slice %arg8[%select_n3A_662, %select_n3A_678, %dma_start3A_685] : memref<64x8x64xf32, #tpu.memory_space<vmem>> -> memref<1x1x64xf32, #tpu.memory_space<vmem>>
      %dma_start3A_687 = tpu.memref_squeeze %dma_start3A_686 : memref<1x1x64xf32, #tpu.memory_space<vmem>> -> memref<64xf32, #tpu.memory_space<vmem>>
      %dma_start3A_688 = arith.constant 0 : i32
      %dma_start3A_689 = tpu.memref_slice %arg4[%squeeze3A_636, %squeeze3A_638, %dma_start3A_688] : memref<125000x8x64xf32, #tpu.memory_space<hbm>> -> memref<1x1x64xf32, #tpu.memory_space<hbm>>
      %dma_start3A_690 = tpu.memref_squeeze %dma_start3A_689 : memref<1x1x64xf32, #tpu.memory_space<hbm>> -> memref<64xf32, #tpu.memory_space<hbm>>
      tpu.enqueue_dma source(%dma_start3A_690 : memref<64xf32, #tpu.memory_space<hbm>>) target(%dma_start3A_687 : memref<64xf32, #tpu.memory_space<vmem>>) target_semaphore(%arg9 : memref<!tpu.dma_semaphore, #tpu.memory_space<semaphore_mem>>)
      %mul3A_691 = arith.constant 16 : i32
      %mul3A_692 = arith.muli %scan3A_25, %mul3A_691 : i32
      %add3A_693 = arith.constant 11 : i32
      %add3A_694 = arith.addi %mul3A_692, %add3A_693 : i32
      %slice3A_695 = vector.extract_strided_slice %get3A_30 {offsets = [11], sizes = [1], strides = [1]} : vector<16xi32> to vector<1xi32>
      %squeeze3A_696 = vector.extract %slice3A_695[0] : i32 from vector<1xi32>
      %slice3A_697 = vector.extract_strided_slice %get3A_35 {offsets = [11], sizes = [1], strides = [1]} : vector<16xi32> to vector<1xi32>
      %squeeze3A_698 = vector.extract %slice3A_697[0] : i32 from vector<1xi32>
      %jit3A_699 = arith.constant 8 : i32
      %div3A_700 = arith.divsi %add3A_694, %jit3A_699 : i32
      %sign3A_701 = arith.constant 0 : i32
      %sign3A_702 = arith.cmpi sgt, %add3A_694, %sign3A_701 : i32
      %sign3A_703 = arith.extui %sign3A_702 : i1 to i32
      %sign3A_704 = arith.constant 0 : i32
      %sign3A_705 = arith.cmpi slt, %add3A_694, %sign3A_704 : i32
      %sign3A_706 = arith.extui %sign3A_705 : i1 to i32
      %sign3A_707 = arith.subi %sign3A_703, %sign3A_706 : i32
      %sign3A_708 = arith.constant 0 : i32
      %sign3A_709 = arith.cmpi sgt, %jit3A_699, %sign3A_708 : i32
      %sign3A_710 = arith.extui %sign3A_709 : i1 to i32
      %sign3A_711 = arith.constant 0 : i32
      %sign3A_712 = arith.cmpi slt, %jit3A_699, %sign3A_711 : i32
      %sign3A_713 = arith.extui %sign3A_712 : i1 to i32
      %sign3A_714 = arith.subi %sign3A_710, %sign3A_713 : i32
      %ne3A_715 = arith.cmpi ne, %sign3A_707, %sign3A_714 : i32
      %rem3A_716 = arith.remsi %add3A_694, %jit3A_699 : i32
      %ne3A_717 = arith.constant 0 : i32
      %ne3A_718 = arith.cmpi ne, %rem3A_716, %ne3A_717 : i32
      %and3A_719 = arith.andi %ne3A_715, %ne3A_718 : i1
      %sub3A_720 = arith.constant 1 : i32
      %sub3A_721 = arith.subi %div3A_700, %sub3A_720 : i32
      %select_n3A_722 = arith.select %and3A_719, %sub3A_721, %div3A_700 : i32
      %jit3A_723 = arith.constant 8 : i32
      %eq3A_724 = arith.constant 0 : i32
      %eq3A_725 = arith.cmpi eq, %jit3A_723, %eq3A_724 : i32
      %jit3A_726 = arith.constant 1 : i32
      %select_n3A_727 = arith.select %eq3A_725, %jit3A_726, %jit3A_723 : i32
      %rem3A_728 = arith.remsi %add3A_694, %select_n3A_727 : i32
      %ne3A_729 = arith.constant 0 : i32
      %ne3A_730 = arith.cmpi ne, %rem3A_728, %ne3A_729 : i32
      %lt3A_731 = arith.constant 0 : i32
      %lt3A_732 = arith.cmpi slt, %rem3A_728, %lt3A_731 : i32
      %lt3A_733 = arith.constant 0 : i32
      %lt3A_734 = arith.cmpi slt, %select_n3A_727, %lt3A_733 : i32
      %ne3A_735 = arith.xori %lt3A_732, %lt3A_734 : i1
      %and3A_736 = arith.andi %ne3A_735, %ne3A_730 : i1
      %add3A_737 = arith.addi %rem3A_728, %select_n3A_727 : i32
      %select_n3A_738 = arith.select %and3A_736, %add3A_737, %rem3A_728 : i32
      %dma_start3A_739 = arith.constant 0 : i32
      %dma_start3A_740 = tpu.memref_slice %arg8[%select_n3A_722, %select_n3A_738, %dma_start3A_739] : memref<64x8x64xf32, #tpu.memory_space<vmem>> -> memref<1x1x64xf32, #tpu.memory_space<vmem>>
      %dma_start3A_741 = tpu.memref_squeeze %dma_start3A_740 : memref<1x1x64xf32, #tpu.memory_space<vmem>> -> memref<64xf32, #tpu.memory_space<vmem>>
      %dma_start3A_742 = arith.constant 0 : i32
      %dma_start3A_743 = tpu.memref_slice %arg4[%squeeze3A_696, %squeeze3A_698, %dma_start3A_742] : memref<125000x8x64xf32, #tpu.memory_space<hbm>> -> memref<1x1x64xf32, #tpu.memory_space<hbm>>
      %dma_start3A_744 = tpu.memref_squeeze %dma_start3A_743 : memref<1x1x64xf32, #tpu.memory_space<hbm>> -> memref<64xf32, #tpu.memory_space<hbm>>
      %dma_start3A_745 = arith.constant 0 : i32
      %dma_start3A_746 = tpu.memref_slice %arg8[%select_n3A_722, %select_n3A_738, %dma_start3A_745] : memref<64x8x64xf32, #tpu.memory_space<vmem>> -> memref<1x1x64xf32, #tpu.memory_space<vmem>>
      %dma_start3A_747 = tpu.memref_squeeze %dma_start3A_746 : memref<1x1x64xf32, #tpu.memory_space<vmem>> -> memref<64xf32, #tpu.memory_space<vmem>>
      %dma_start3A_748 = arith.constant 0 : i32
      %dma_start3A_749 = tpu.memref_slice %arg4[%squeeze3A_696, %squeeze3A_698, %dma_start3A_748] : memref<125000x8x64xf32, #tpu.memory_space<hbm>> -> memref<1x1x64xf32, #tpu.memory_space<hbm>>
      %dma_start3A_750 = tpu.memref_squeeze %dma_start3A_749 : memref<1x1x64xf32, #tpu.memory_space<hbm>> -> memref<64xf32, #tpu.memory_space<hbm>>
      tpu.enqueue_dma source(%dma_start3A_750 : memref<64xf32, #tpu.memory_space<hbm>>) target(%dma_start3A_747 : memref<64xf32, #tpu.memory_space<vmem>>) target_semaphore(%arg9 : memref<!tpu.dma_semaphore, #tpu.memory_space<semaphore_mem>>)
      %mul3A_751 = arith.constant 16 : i32
      %mul3A_752 = arith.muli %scan3A_25, %mul3A_751 : i32
      %add3A_753 = arith.constant 12 : i32
      %add3A_754 = arith.addi %mul3A_752, %add3A_753 : i32
      %slice3A_755 = vector.extract_strided_slice %get3A_30 {offsets = [12], sizes = [1], strides = [1]} : vector<16xi32> to vector<1xi32>
      %squeeze3A_756 = vector.extract %slice3A_755[0] : i32 from vector<1xi32>
      %slice3A_757 = vector.extract_strided_slice %get3A_35 {offsets = [12], sizes = [1], strides = [1]} : vector<16xi32> to vector<1xi32>
      %squeeze3A_758 = vector.extract %slice3A_757[0] : i32 from vector<1xi32>
      %jit3A_759 = arith.constant 8 : i32
      %div3A_760 = arith.divsi %add3A_754, %jit3A_759 : i32
      %sign3A_761 = arith.constant 0 : i32
      %sign3A_762 = arith.cmpi sgt, %add3A_754, %sign3A_761 : i32
      %sign3A_763 = arith.extui %sign3A_762 : i1 to i32
      %sign3A_764 = arith.constant 0 : i32
      %sign3A_765 = arith.cmpi slt, %add3A_754, %sign3A_764 : i32
      %sign3A_766 = arith.extui %sign3A_765 : i1 to i32
      %sign3A_767 = arith.subi %sign3A_763, %sign3A_766 : i32
      %sign3A_768 = arith.constant 0 : i32
      %sign3A_769 = arith.cmpi sgt, %jit3A_759, %sign3A_768 : i32
      %sign3A_770 = arith.extui %sign3A_769 : i1 to i32
      %sign3A_771 = arith.constant 0 : i32
      %sign3A_772 = arith.cmpi slt, %jit3A_759, %sign3A_771 : i32
      %sign3A_773 = arith.extui %sign3A_772 : i1 to i32
      %sign3A_774 = arith.subi %sign3A_770, %sign3A_773 : i32
      %ne3A_775 = arith.cmpi ne, %sign3A_767, %sign3A_774 : i32
      %rem3A_776 = arith.remsi %add3A_754, %jit3A_759 : i32
      %ne3A_777 = arith.constant 0 : i32
      %ne3A_778 = arith.cmpi ne, %rem3A_776, %ne3A_777 : i32
      %and3A_779 = arith.andi %ne3A_775, %ne3A_778 : i1
      %sub3A_780 = arith.constant 1 : i32
      %sub3A_781 = arith.subi %div3A_760, %sub3A_780 : i32
      %select_n3A_782 = arith.select %and3A_779, %sub3A_781, %div3A_760 : i32
      %jit3A_783 = arith.constant 8 : i32
      %eq3A_784 = arith.constant 0 : i32
      %eq3A_785 = arith.cmpi eq, %jit3A_783, %eq3A_784 : i32
      %jit3A_786 = arith.constant 1 : i32
      %select_n3A_787 = arith.select %eq3A_785, %jit3A_786, %jit3A_783 : i32
      %rem3A_788 = arith.remsi %add3A_754, %select_n3A_787 : i32
      %ne3A_789 = arith.constant 0 : i32
      %ne3A_790 = arith.cmpi ne, %rem3A_788, %ne3A_789 : i32
      %lt3A_791 = arith.constant 0 : i32
      %lt3A_792 = arith.cmpi slt, %rem3A_788, %lt3A_791 : i32
      %lt3A_793 = arith.constant 0 : i32
      %lt3A_794 = arith.cmpi slt, %select_n3A_787, %lt3A_793 : i32
      %ne3A_795 = arith.xori %lt3A_792, %lt3A_794 : i1
      %and3A_796 = arith.andi %ne3A_795, %ne3A_790 : i1
      %add3A_797 = arith.addi %rem3A_788, %select_n3A_787 : i32
      %select_n3A_798 = arith.select %and3A_796, %add3A_797, %rem3A_788 : i32
      %dma_start3A_799 = arith.constant 0 : i32
      %dma_start3A_800 = tpu.memref_slice %arg8[%select_n3A_782, %select_n3A_798, %dma_start3A_799] : memref<64x8x64xf32, #tpu.memory_space<vmem>> -> memref<1x1x64xf32, #tpu.memory_space<vmem>>
      %dma_start3A_801 = tpu.memref_squeeze %dma_start3A_800 : memref<1x1x64xf32, #tpu.memory_space<vmem>> -> memref<64xf32, #tpu.memory_space<vmem>>
      %dma_start3A_802 = arith.constant 0 : i32
      %dma_start3A_803 = tpu.memref_slice %arg4[%squeeze3A_756, %squeeze3A_758, %dma_start3A_802] : memref<125000x8x64xf32, #tpu.memory_space<hbm>> -> memref<1x1x64xf32, #tpu.memory_space<hbm>>
      %dma_start3A_804 = tpu.memref_squeeze %dma_start3A_803 : memref<1x1x64xf32, #tpu.memory_space<hbm>> -> memref<64xf32, #tpu.memory_space<hbm>>
      %dma_start3A_805 = arith.constant 0 : i32
      %dma_start3A_806 = tpu.memref_slice %arg8[%select_n3A_782, %select_n3A_798, %dma_start3A_805] : memref<64x8x64xf32, #tpu.memory_space<vmem>> -> memref<1x1x64xf32, #tpu.memory_space<vmem>>
      %dma_start3A_807 = tpu.memref_squeeze %dma_start3A_806 : memref<1x1x64xf32, #tpu.memory_space<vmem>> -> memref<64xf32, #tpu.memory_space<vmem>>
      %dma_start3A_808 = arith.constant 0 : i32
      %dma_start3A_809 = tpu.memref_slice %arg4[%squeeze3A_756, %squeeze3A_758, %dma_start3A_808] : memref<125000x8x64xf32, #tpu.memory_space<hbm>> -> memref<1x1x64xf32, #tpu.memory_space<hbm>>
      %dma_start3A_810 = tpu.memref_squeeze %dma_start3A_809 : memref<1x1x64xf32, #tpu.memory_space<hbm>> -> memref<64xf32, #tpu.memory_space<hbm>>
      tpu.enqueue_dma source(%dma_start3A_810 : memref<64xf32, #tpu.memory_space<hbm>>) target(%dma_start3A_807 : memref<64xf32, #tpu.memory_space<vmem>>) target_semaphore(%arg9 : memref<!tpu.dma_semaphore, #tpu.memory_space<semaphore_mem>>)
      %mul3A_811 = arith.constant 16 : i32
      %mul3A_812 = arith.muli %scan3A_25, %mul3A_811 : i32
      %add3A_813 = arith.constant 13 : i32
      %add3A_814 = arith.addi %mul3A_812, %add3A_813 : i32
      %slice3A_815 = vector.extract_strided_slice %get3A_30 {offsets = [13], sizes = [1], strides = [1]} : vector<16xi32> to vector<1xi32>
      %squeeze3A_816 = vector.extract %slice3A_815[0] : i32 from vector<1xi32>
      %slice3A_817 = vector.extract_strided_slice %get3A_35 {offsets = [13], sizes = [1], strides = [1]} : vector<16xi32> to vector<1xi32>
      %squeeze3A_818 = vector.extract %slice3A_817[0] : i32 from vector<1xi32>
      %jit3A_819 = arith.constant 8 : i32
      %div3A_820 = arith.divsi %add3A_814, %jit3A_819 : i32
      %sign3A_821 = arith.constant 0 : i32
      %sign3A_822 = arith.cmpi sgt, %add3A_814, %sign3A_821 : i32
      %sign3A_823 = arith.extui %sign3A_822 : i1 to i32
      %sign3A_824 = arith.constant 0 : i32
      %sign3A_825 = arith.cmpi slt, %add3A_814, %sign3A_824 : i32
      %sign3A_826 = arith.extui %sign3A_825 : i1 to i32
      %sign3A_827 = arith.subi %sign3A_823, %sign3A_826 : i32
      %sign3A_828 = arith.constant 0 : i32
      %sign3A_829 = arith.cmpi sgt, %jit3A_819, %sign3A_828 : i32
      %sign3A_830 = arith.extui %sign3A_829 : i1 to i32
      %sign3A_831 = arith.constant 0 : i32
      %sign3A_832 = arith.cmpi slt, %jit3A_819, %sign3A_831 : i32
      %sign3A_833 = arith.extui %sign3A_832 : i1 to i32
      %sign3A_834 = arith.subi %sign3A_830, %sign3A_833 : i32
      %ne3A_835 = arith.cmpi ne, %sign3A_827, %sign3A_834 : i32
      %rem3A_836 = arith.remsi %add3A_814, %jit3A_819 : i32
      %ne3A_837 = arith.constant 0 : i32
      %ne3A_838 = arith.cmpi ne, %rem3A_836, %ne3A_837 : i32
      %and3A_839 = arith.andi %ne3A_835, %ne3A_838 : i1
      %sub3A_840 = arith.constant 1 : i32
      %sub3A_841 = arith.subi %div3A_820, %sub3A_840 : i32
      %select_n3A_842 = arith.select %and3A_839, %sub3A_841, %div3A_820 : i32
      %jit3A_843 = arith.constant 8 : i32
      %eq3A_844 = arith.constant 0 : i32
      %eq3A_845 = arith.cmpi eq, %jit3A_843, %eq3A_844 : i32
      %jit3A_846 = arith.constant 1 : i32
      %select_n3A_847 = arith.select %eq3A_845, %jit3A_846, %jit3A_843 : i32
      %rem3A_848 = arith.remsi %add3A_814, %select_n3A_847 : i32
      %ne3A_849 = arith.constant 0 : i32
      %ne3A_850 = arith.cmpi ne, %rem3A_848, %ne3A_849 : i32
      %lt3A_851 = arith.constant 0 : i32
      %lt3A_852 = arith.cmpi slt, %rem3A_848, %lt3A_851 : i32
      %lt3A_853 = arith.constant 0 : i32
      %lt3A_854 = arith.cmpi slt, %select_n3A_847, %lt3A_853 : i32
      %ne3A_855 = arith.xori %lt3A_852, %lt3A_854 : i1
      %and3A_856 = arith.andi %ne3A_855, %ne3A_850 : i1
      %add3A_857 = arith.addi %rem3A_848, %select_n3A_847 : i32
      %select_n3A_858 = arith.select %and3A_856, %add3A_857, %rem3A_848 : i32
      %dma_start3A_859 = arith.constant 0 : i32
      %dma_start3A_860 = tpu.memref_slice %arg8[%select_n3A_842, %select_n3A_858, %dma_start3A_859] : memref<64x8x64xf32, #tpu.memory_space<vmem>> -> memref<1x1x64xf32, #tpu.memory_space<vmem>>
      %dma_start3A_861 = tpu.memref_squeeze %dma_start3A_860 : memref<1x1x64xf32, #tpu.memory_space<vmem>> -> memref<64xf32, #tpu.memory_space<vmem>>
      %dma_start3A_862 = arith.constant 0 : i32
      %dma_start3A_863 = tpu.memref_slice %arg4[%squeeze3A_816, %squeeze3A_818, %dma_start3A_862] : memref<125000x8x64xf32, #tpu.memory_space<hbm>> -> memref<1x1x64xf32, #tpu.memory_space<hbm>>
      %dma_start3A_864 = tpu.memref_squeeze %dma_start3A_863 : memref<1x1x64xf32, #tpu.memory_space<hbm>> -> memref<64xf32, #tpu.memory_space<hbm>>
      %dma_start3A_865 = arith.constant 0 : i32
      %dma_start3A_866 = tpu.memref_slice %arg8[%select_n3A_842, %select_n3A_858, %dma_start3A_865] : memref<64x8x64xf32, #tpu.memory_space<vmem>> -> memref<1x1x64xf32, #tpu.memory_space<vmem>>
      %dma_start3A_867 = tpu.memref_squeeze %dma_start3A_866 : memref<1x1x64xf32, #tpu.memory_space<vmem>> -> memref<64xf32, #tpu.memory_space<vmem>>
      %dma_start3A_868 = arith.constant 0 : i32
      %dma_start3A_869 = tpu.memref_slice %arg4[%squeeze3A_816, %squeeze3A_818, %dma_start3A_868] : memref<125000x8x64xf32, #tpu.memory_space<hbm>> -> memref<1x1x64xf32, #tpu.memory_space<hbm>>
      %dma_start3A_870 = tpu.memref_squeeze %dma_start3A_869 : memref<1x1x64xf32, #tpu.memory_space<hbm>> -> memref<64xf32, #tpu.memory_space<hbm>>
      tpu.enqueue_dma source(%dma_start3A_870 : memref<64xf32, #tpu.memory_space<hbm>>) target(%dma_start3A_867 : memref<64xf32, #tpu.memory_space<vmem>>) target_semaphore(%arg9 : memref<!tpu.dma_semaphore, #tpu.memory_space<semaphore_mem>>)
      %mul3A_871 = arith.constant 16 : i32
      %mul3A_872 = arith.muli %scan3A_25, %mul3A_871 : i32
      %add3A_873 = arith.constant 14 : i32
      %add3A_874 = arith.addi %mul3A_872, %add3A_873 : i32
      %slice3A_875 = vector.extract_strided_slice %get3A_30 {offsets = [14], sizes = [1], strides = [1]} : vector<16xi32> to vector<1xi32>
      %squeeze3A_876 = vector.extract %slice3A_875[0] : i32 from vector<1xi32>
      %slice3A_877 = vector.extract_strided_slice %get3A_35 {offsets = [14], sizes = [1], strides = [1]} : vector<16xi32> to vector<1xi32>
      %squeeze3A_878 = vector.extract %slice3A_877[0] : i32 from vector<1xi32>
      %jit3A_879 = arith.constant 8 : i32
      %div3A_880 = arith.divsi %add3A_874, %jit3A_879 : i32
      %sign3A_881 = arith.constant 0 : i32
      %sign3A_882 = arith.cmpi sgt, %add3A_874, %sign3A_881 : i32
      %sign3A_883 = arith.extui %sign3A_882 : i1 to i32
      %sign3A_884 = arith.constant 0 : i32
      %sign3A_885 = arith.cmpi slt, %add3A_874, %sign3A_884 : i32
      %sign3A_886 = arith.extui %sign3A_885 : i1 to i32
      %sign3A_887 = arith.subi %sign3A_883, %sign3A_886 : i32
      %sign3A_888 = arith.constant 0 : i32
      %sign3A_889 = arith.cmpi sgt, %jit3A_879, %sign3A_888 : i32
      %sign3A_890 = arith.extui %sign3A_889 : i1 to i32
      %sign3A_891 = arith.constant 0 : i32
      %sign3A_892 = arith.cmpi slt, %jit3A_879, %sign3A_891 : i32
      %sign3A_893 = arith.extui %sign3A_892 : i1 to i32
      %sign3A_894 = arith.subi %sign3A_890, %sign3A_893 : i32
      %ne3A_895 = arith.cmpi ne, %sign3A_887, %sign3A_894 : i32
      %rem3A_896 = arith.remsi %add3A_874, %jit3A_879 : i32
      %ne3A_897 = arith.constant 0 : i32
      %ne3A_898 = arith.cmpi ne, %rem3A_896, %ne3A_897 : i32
      %and3A_899 = arith.andi %ne3A_895, %ne3A_898 : i1
      %sub3A_900 = arith.constant 1 : i32
      %sub3A_901 = arith.subi %div3A_880, %sub3A_900 : i32
      %select_n3A_902 = arith.select %and3A_899, %sub3A_901, %div3A_880 : i32
      %jit3A_903 = arith.constant 8 : i32
      %eq3A_904 = arith.constant 0 : i32
      %eq3A_905 = arith.cmpi eq, %jit3A_903, %eq3A_904 : i32
      %jit3A_906 = arith.constant 1 : i32
      %select_n3A_907 = arith.select %eq3A_905, %jit3A_906, %jit3A_903 : i32
      %rem3A_908 = arith.remsi %add3A_874, %select_n3A_907 : i32
      %ne3A_909 = arith.constant 0 : i32
      %ne3A_910 = arith.cmpi ne, %rem3A_908, %ne3A_909 : i32
      %lt3A_911 = arith.constant 0 : i32
      %lt3A_912 = arith.cmpi slt, %rem3A_908, %lt3A_911 : i32
      %lt3A_913 = arith.constant 0 : i32
      %lt3A_914 = arith.cmpi slt, %select_n3A_907, %lt3A_913 : i32
      %ne3A_915 = arith.xori %lt3A_912, %lt3A_914 : i1
      %and3A_916 = arith.andi %ne3A_915, %ne3A_910 : i1
      %add3A_917 = arith.addi %rem3A_908, %select_n3A_907 : i32
      %select_n3A_918 = arith.select %and3A_916, %add3A_917, %rem3A_908 : i32
      %dma_start3A_919 = arith.constant 0 : i32
      %dma_start3A_920 = tpu.memref_slice %arg8[%select_n3A_902, %select_n3A_918, %dma_start3A_919] : memref<64x8x64xf32, #tpu.memory_space<vmem>> -> memref<1x1x64xf32, #tpu.memory_space<vmem>>
      %dma_start3A_921 = tpu.memref_squeeze %dma_start3A_920 : memref<1x1x64xf32, #tpu.memory_space<vmem>> -> memref<64xf32, #tpu.memory_space<vmem>>
      %dma_start3A_922 = arith.constant 0 : i32
      %dma_start3A_923 = tpu.memref_slice %arg4[%squeeze3A_876, %squeeze3A_878, %dma_start3A_922] : memref<125000x8x64xf32, #tpu.memory_space<hbm>> -> memref<1x1x64xf32, #tpu.memory_space<hbm>>
      %dma_start3A_924 = tpu.memref_squeeze %dma_start3A_923 : memref<1x1x64xf32, #tpu.memory_space<hbm>> -> memref<64xf32, #tpu.memory_space<hbm>>
      %dma_start3A_925 = arith.constant 0 : i32
      %dma_start3A_926 = tpu.memref_slice %arg8[%select_n3A_902, %select_n3A_918, %dma_start3A_925] : memref<64x8x64xf32, #tpu.memory_space<vmem>> -> memref<1x1x64xf32, #tpu.memory_space<vmem>>
      %dma_start3A_927 = tpu.memref_squeeze %dma_start3A_926 : memref<1x1x64xf32, #tpu.memory_space<vmem>> -> memref<64xf32, #tpu.memory_space<vmem>>
      %dma_start3A_928 = arith.constant 0 : i32
      %dma_start3A_929 = tpu.memref_slice %arg4[%squeeze3A_876, %squeeze3A_878, %dma_start3A_928] : memref<125000x8x64xf32, #tpu.memory_space<hbm>> -> memref<1x1x64xf32, #tpu.memory_space<hbm>>
      %dma_start3A_930 = tpu.memref_squeeze %dma_start3A_929 : memref<1x1x64xf32, #tpu.memory_space<hbm>> -> memref<64xf32, #tpu.memory_space<hbm>>
      tpu.enqueue_dma source(%dma_start3A_930 : memref<64xf32, #tpu.memory_space<hbm>>) target(%dma_start3A_927 : memref<64xf32, #tpu.memory_space<vmem>>) target_semaphore(%arg9 : memref<!tpu.dma_semaphore, #tpu.memory_space<semaphore_mem>>)
      %mul3A_931 = arith.constant 16 : i32
      %mul3A_932 = arith.muli %scan3A_25, %mul3A_931 : i32
      %add3A_933 = arith.constant 15 : i32
      %add3A_934 = arith.addi %mul3A_932, %add3A_933 : i32
      %slice3A_935 = vector.extract_strided_slice %get3A_30 {offsets = [15], sizes = [1], strides = [1]} : vector<16xi32> to vector<1xi32>
      %squeeze3A_936 = vector.extract %slice3A_935[0] : i32 from vector<1xi32>
      %slice3A_937 = vector.extract_strided_slice %get3A_35 {offsets = [15], sizes = [1], strides = [1]} : vector<16xi32> to vector<1xi32>
      %squeeze3A_938 = vector.extract %slice3A_937[0] : i32 from vector<1xi32>
      %jit3A_939 = arith.constant 8 : i32
      %div3A_940 = arith.divsi %add3A_934, %jit3A_939 : i32
      %sign3A_941 = arith.constant 0 : i32
      %sign3A_942 = arith.cmpi sgt, %add3A_934, %sign3A_941 : i32
      %sign3A_943 = arith.extui %sign3A_942 : i1 to i32
      %sign3A_944 = arith.constant 0 : i32
      %sign3A_945 = arith.cmpi slt, %add3A_934, %sign3A_944 : i32
      %sign3A_946 = arith.extui %sign3A_945 : i1 to i32
      %sign3A_947 = arith.subi %sign3A_943, %sign3A_946 : i32
      %sign3A_948 = arith.constant 0 : i32
      %sign3A_949 = arith.cmpi sgt, %jit3A_939, %sign3A_948 : i32
      %sign3A_950 = arith.extui %sign3A_949 : i1 to i32
      %sign3A_951 = arith.constant 0 : i32
      %sign3A_952 = arith.cmpi slt, %jit3A_939, %sign3A_951 : i32
      %sign3A_953 = arith.extui %sign3A_952 : i1 to i32
      %sign3A_954 = arith.subi %sign3A_950, %sign3A_953 : i32
      %ne3A_955 = arith.cmpi ne, %sign3A_947, %sign3A_954 : i32
      %rem3A_956 = arith.remsi %add3A_934, %jit3A_939 : i32
      %ne3A_957 = arith.constant 0 : i32
      %ne3A_958 = arith.cmpi ne, %rem3A_956, %ne3A_957 : i32
      %and3A_959 = arith.andi %ne3A_955, %ne3A_958 : i1
      %sub3A_960 = arith.constant 1 : i32
      %sub3A_961 = arith.subi %div3A_940, %sub3A_960 : i32
      %select_n3A_962 = arith.select %and3A_959, %sub3A_961, %div3A_940 : i32
      %jit3A_963 = arith.constant 8 : i32
      %eq3A_964 = arith.constant 0 : i32
      %eq3A_965 = arith.cmpi eq, %jit3A_963, %eq3A_964 : i32
      %jit3A_966 = arith.constant 1 : i32
      %select_n3A_967 = arith.select %eq3A_965, %jit3A_966, %jit3A_963 : i32
      %rem3A_968 = arith.remsi %add3A_934, %select_n3A_967 : i32
      %ne3A_969 = arith.constant 0 : i32
      %ne3A_970 = arith.cmpi ne, %rem3A_968, %ne3A_969 : i32
      %lt3A_971 = arith.constant 0 : i32
      %lt3A_972 = arith.cmpi slt, %rem3A_968, %lt3A_971 : i32
      %lt3A_973 = arith.constant 0 : i32
      %lt3A_974 = arith.cmpi slt, %select_n3A_967, %lt3A_973 : i32
      %ne3A_975 = arith.xori %lt3A_972, %lt3A_974 : i1
      %and3A_976 = arith.andi %ne3A_975, %ne3A_970 : i1
      %add3A_977 = arith.addi %rem3A_968, %select_n3A_967 : i32
      %select_n3A_978 = arith.select %and3A_976, %add3A_977, %rem3A_968 : i32
      %dma_start3A_979 = arith.constant 0 : i32
      %dma_start3A_980 = tpu.memref_slice %arg8[%select_n3A_962, %select_n3A_978, %dma_start3A_979] : memref<64x8x64xf32, #tpu.memory_space<vmem>> -> memref<1x1x64xf32, #tpu.memory_space<vmem>>
      %dma_start3A_981 = tpu.memref_squeeze %dma_start3A_980 : memref<1x1x64xf32, #tpu.memory_space<vmem>> -> memref<64xf32, #tpu.memory_space<vmem>>
      %dma_start3A_982 = arith.constant 0 : i32
      %dma_start3A_983 = tpu.memref_slice %arg4[%squeeze3A_936, %squeeze3A_938, %dma_start3A_982] : memref<125000x8x64xf32, #tpu.memory_space<hbm>> -> memref<1x1x64xf32, #tpu.memory_space<hbm>>
      %dma_start3A_984 = tpu.memref_squeeze %dma_start3A_983 : memref<1x1x64xf32, #tpu.memory_space<hbm>> -> memref<64xf32, #tpu.memory_space<hbm>>
      %dma_start3A_985 = arith.constant 0 : i32
      %dma_start3A_986 = tpu.memref_slice %arg8[%select_n3A_962, %select_n3A_978, %dma_start3A_985] : memref<64x8x64xf32, #tpu.memory_space<vmem>> -> memref<1x1x64xf32, #tpu.memory_space<vmem>>
      %dma_start3A_987 = tpu.memref_squeeze %dma_start3A_986 : memref<1x1x64xf32, #tpu.memory_space<vmem>> -> memref<64xf32, #tpu.memory_space<vmem>>
      %dma_start3A_988 = arith.constant 0 : i32
      %dma_start3A_989 = tpu.memref_slice %arg4[%squeeze3A_936, %squeeze3A_938, %dma_start3A_988] : memref<125000x8x64xf32, #tpu.memory_space<hbm>> -> memref<1x1x64xf32, #tpu.memory_space<hbm>>
      %dma_start3A_990 = tpu.memref_squeeze %dma_start3A_989 : memref<1x1x64xf32, #tpu.memory_space<hbm>> -> memref<64xf32, #tpu.memory_space<hbm>>
      tpu.enqueue_dma source(%dma_start3A_990 : memref<64xf32, #tpu.memory_space<hbm>>) target(%dma_start3A_987 : memref<64xf32, #tpu.memory_space<vmem>>) target_semaphore(%arg9 : memref<!tpu.dma_semaphore, #tpu.memory_space<semaphore_mem>>)
      %dma_wait3A = arith.constant 0 : i32
      %dma_wait3A_991 = tpu.memref_slice %arg8[%select_n3A_65, %select_n3A_79, %dma_wait3A] : memref<64x8x64xf32, #tpu.memory_space<vmem>> -> memref<1x1x64xf32, #tpu.memory_space<vmem>>
      %dma_wait3A_992 = tpu.memref_squeeze %dma_wait3A_991 : memref<1x1x64xf32, #tpu.memory_space<vmem>> -> memref<64xf32, #tpu.memory_space<vmem>>
      %dma_wait3A_993 = arith.constant 0 : i32
      %dma_wait3A_994 = tpu.memref_slice %arg4[%squeeze3A, %squeeze3A_41, %dma_wait3A_993] : memref<125000x8x64xf32, #tpu.memory_space<hbm>> -> memref<1x1x64xf32, #tpu.memory_space<hbm>>
      %dma_wait3A_995 = tpu.memref_squeeze %dma_wait3A_994 : memref<1x1x64xf32, #tpu.memory_space<hbm>> -> memref<64xf32, #tpu.memory_space<hbm>>
      %dma_wait3A_996 = arith.constant 0 : i32
      %dma_wait3A_997 = tpu.memref_slice %arg8[%select_n3A_65, %select_n3A_79, %dma_wait3A_996] : memref<64x8x64xf32, #tpu.memory_space<vmem>> -> memref<1x1x64xf32, #tpu.memory_space<vmem>>
      %dma_wait3A_998 = tpu.memref_squeeze %dma_wait3A_997 : memref<1x1x64xf32, #tpu.memory_space<vmem>> -> memref<64xf32, #tpu.memory_space<vmem>>
      %dma_wait3A_999 = arith.constant 0 : i32
      %dma_wait3A_1000 = tpu.memref_slice %arg4[%squeeze3A, %squeeze3A_41, %dma_wait3A_999] : memref<125000x8x64xf32, #tpu.memory_space<hbm>> -> memref<1x1x64xf32, #tpu.memory_space<hbm>>
      %dma_wait3A_1001 = tpu.memref_squeeze %dma_wait3A_1000 : memref<1x1x64xf32, #tpu.memory_space<hbm>> -> memref<64xf32, #tpu.memory_space<hbm>>
      tpu.wait_dma2 semaphore(%arg9 : memref<!tpu.dma_semaphore, #tpu.memory_space<semaphore_mem>>) src(%dma_wait3A_1001 : memref<64xf32, #tpu.memory_space<hbm>>) dst(%dma_wait3A_998 : memref<64xf32, #tpu.memory_space<vmem>>)
      %dma_wait3A_1002 = arith.constant 0 : i32
      %dma_wait3A_1003 = tpu.memref_slice %arg8[%select_n3A_122, %select_n3A_138, %dma_wait3A_1002] : memref<64x8x64xf32, #tpu.memory_space<vmem>> -> memref<1x1x64xf32, #tpu.memory_space<vmem>>
      %dma_wait3A_1004 = tpu.memref_squeeze %dma_wait3A_1003 : memref<1x1x64xf32, #tpu.memory_space<vmem>> -> memref<64xf32, #tpu.memory_space<vmem>>
      %dma_wait3A_1005 = arith.constant 0 : i32
      %dma_wait3A_1006 = tpu.memref_slice %arg4[%squeeze3A_96, %squeeze3A_98, %dma_wait3A_1005] : memref<125000x8x64xf32, #tpu.memory_space<hbm>> -> memref<1x1x64xf32, #tpu.memory_space<hbm>>
      %dma_wait3A_1007 = tpu.memref_squeeze %dma_wait3A_1006 : memref<1x1x64xf32, #tpu.memory_space<hbm>> -> memref<64xf32, #tpu.memory_space<hbm>>
      %dma_wait3A_1008 = arith.constant 0 : i32
      %dma_wait3A_1009 = tpu.memref_slice %arg8[%select_n3A_122, %select_n3A_138, %dma_wait3A_1008] : memref<64x8x64xf32, #tpu.memory_space<vmem>> -> memref<1x1x64xf32, #tpu.memory_space<vmem>>
      %dma_wait3A_1010 = tpu.memref_squeeze %dma_wait3A_1009 : memref<1x1x64xf32, #tpu.memory_space<vmem>> -> memref<64xf32, #tpu.memory_space<vmem>>
      %dma_wait3A_1011 = arith.constant 0 : i32
      %dma_wait3A_1012 = tpu.memref_slice %arg4[%squeeze3A_96, %squeeze3A_98, %dma_wait3A_1011] : memref<125000x8x64xf32, #tpu.memory_space<hbm>> -> memref<1x1x64xf32, #tpu.memory_space<hbm>>
      %dma_wait3A_1013 = tpu.memref_squeeze %dma_wait3A_1012 : memref<1x1x64xf32, #tpu.memory_space<hbm>> -> memref<64xf32, #tpu.memory_space<hbm>>
      tpu.wait_dma2 semaphore(%arg9 : memref<!tpu.dma_semaphore, #tpu.memory_space<semaphore_mem>>) src(%dma_wait3A_1013 : memref<64xf32, #tpu.memory_space<hbm>>) dst(%dma_wait3A_1010 : memref<64xf32, #tpu.memory_space<vmem>>)
      %dma_wait3A_1014 = arith.constant 0 : i32
      %dma_wait3A_1015 = tpu.memref_slice %arg8[%select_n3A_182, %select_n3A_198, %dma_wait3A_1014] : memref<64x8x64xf32, #tpu.memory_space<vmem>> -> memref<1x1x64xf32, #tpu.memory_space<vmem>>
      %dma_wait3A_1016 = tpu.memref_squeeze %dma_wait3A_1015 : memref<1x1x64xf32, #tpu.memory_space<vmem>> -> memref<64xf32, #tpu.memory_space<vmem>>
      %dma_wait3A_1017 = arith.constant 0 : i32
      %dma_wait3A_1018 = tpu.memref_slice %arg4[%squeeze3A_156, %squeeze3A_158, %dma_wait3A_1017] : memref<125000x8x64xf32, #tpu.memory_space<hbm>> -> memref<1x1x64xf32, #tpu.memory_space<hbm>>
      %dma_wait3A_1019 = tpu.memref_squeeze %dma_wait3A_1018 : memref<1x1x64xf32, #tpu.memory_space<hbm>> -> memref<64xf32, #tpu.memory_space<hbm>>
      %dma_wait3A_1020 = arith.constant 0 : i32
      %dma_wait3A_1021 = tpu.memref_slice %arg8[%select_n3A_182, %select_n3A_198, %dma_wait3A_1020] : memref<64x8x64xf32, #tpu.memory_space<vmem>> -> memref<1x1x64xf32, #tpu.memory_space<vmem>>
      %dma_wait3A_1022 = tpu.memref_squeeze %dma_wait3A_1021 : memref<1x1x64xf32, #tpu.memory_space<vmem>> -> memref<64xf32, #tpu.memory_space<vmem>>
      %dma_wait3A_1023 = arith.constant 0 : i32
      %dma_wait3A_1024 = tpu.memref_slice %arg4[%squeeze3A_156, %squeeze3A_158, %dma_wait3A_1023] : memref<125000x8x64xf32, #tpu.memory_space<hbm>> -> memref<1x1x64xf32, #tpu.memory_space<hbm>>
      %dma_wait3A_1025 = tpu.memref_squeeze %dma_wait3A_1024 : memref<1x1x64xf32, #tpu.memory_space<hbm>> -> memref<64xf32, #tpu.memory_space<hbm>>
      tpu.wait_dma2 semaphore(%arg9 : memref<!tpu.dma_semaphore, #tpu.memory_space<semaphore_mem>>) src(%dma_wait3A_1025 : memref<64xf32, #tpu.memory_space<hbm>>) dst(%dma_wait3A_1022 : memref<64xf32, #tpu.memory_space<vmem>>)
      %dma_wait3A_1026 = arith.constant 0 : i32
      %dma_wait3A_1027 = tpu.memref_slice %arg8[%select_n3A_242, %select_n3A_258, %dma_wait3A_1026] : memref<64x8x64xf32, #tpu.memory_space<vmem>> -> memref<1x1x64xf32, #tpu.memory_space<vmem>>
      %dma_wait3A_1028 = tpu.memref_squeeze %dma_wait3A_1027 : memref<1x1x64xf32, #tpu.memory_space<vmem>> -> memref<64xf32, #tpu.memory_space<vmem>>
      %dma_wait3A_1029 = arith.constant 0 : i32
      %dma_wait3A_1030 = tpu.memref_slice %arg4[%squeeze3A_216, %squeeze3A_218, %dma_wait3A_1029] : memref<125000x8x64xf32, #tpu.memory_space<hbm>> -> memref<1x1x64xf32, #tpu.memory_space<hbm>>
      %dma_wait3A_1031 = tpu.memref_squeeze %dma_wait3A_1030 : memref<1x1x64xf32, #tpu.memory_space<hbm>> -> memref<64xf32, #tpu.memory_space<hbm>>
      %dma_wait3A_1032 = arith.constant 0 : i32
      %dma_wait3A_1033 = tpu.memref_slice %arg8[%select_n3A_242, %select_n3A_258, %dma_wait3A_1032] : memref<64x8x64xf32, #tpu.memory_space<vmem>> -> memref<1x1x64xf32, #tpu.memory_space<vmem>>
      %dma_wait3A_1034 = tpu.memref_squeeze %dma_wait3A_1033 : memref<1x1x64xf32, #tpu.memory_space<vmem>> -> memref<64xf32, #tpu.memory_space<vmem>>
      %dma_wait3A_1035 = arith.constant 0 : i32
      %dma_wait3A_1036 = tpu.memref_slice %arg4[%squeeze3A_216, %squeeze3A_218, %dma_wait3A_1035] : memref<125000x8x64xf32, #tpu.memory_space<hbm>> -> memref<1x1x64xf32, #tpu.memory_space<hbm>>
      %dma_wait3A_1037 = tpu.memref_squeeze %dma_wait3A_1036 : memref<1x1x64xf32, #tpu.memory_space<hbm>> -> memref<64xf32, #tpu.memory_space<hbm>>
      tpu.wait_dma2 semaphore(%arg9 : memref<!tpu.dma_semaphore, #tpu.memory_space<semaphore_mem>>) src(%dma_wait3A_1037 : memref<64xf32, #tpu.memory_space<hbm>>) dst(%dma_wait3A_1034 : memref<64xf32, #tpu.memory_space<vmem>>)
      %dma_wait3A_1038 = arith.constant 0 : i32
      %dma_wait3A_1039 = tpu.memref_slice %arg8[%select_n3A_302, %select_n3A_318, %dma_wait3A_1038] : memref<64x8x64xf32, #tpu.memory_space<vmem>> -> memref<1x1x64xf32, #tpu.memory_space<vmem>>
      %dma_wait3A_1040 = tpu.memref_squeeze %dma_wait3A_1039 : memref<1x1x64xf32, #tpu.memory_space<vmem>> -> memref<64xf32, #tpu.memory_space<vmem>>
      %dma_wait3A_1041 = arith.constant 0 : i32
      %dma_wait3A_1042 = tpu.memref_slice %arg4[%squeeze3A_276, %squeeze3A_278, %dma_wait3A_1041] : memref<125000x8x64xf32, #tpu.memory_space<hbm>> -> memref<1x1x64xf32, #tpu.memory_space<hbm>>
      %dma_wait3A_1043 = tpu.memref_squeeze %dma_wait3A_1042 : memref<1x1x64xf32, #tpu.memory_space<hbm>> -> memref<64xf32, #tpu.memory_space<hbm>>
      %dma_wait3A_1044 = arith.constant 0 : i32
      %dma_wait3A_1045 = tpu.memref_slice %arg8[%select_n3A_302, %select_n3A_318, %dma_wait3A_1044] : memref<64x8x64xf32, #tpu.memory_space<vmem>> -> memref<1x1x64xf32, #tpu.memory_space<vmem>>
      %dma_wait3A_1046 = tpu.memref_squeeze %dma_wait3A_1045 : memref<1x1x64xf32, #tpu.memory_space<vmem>> -> memref<64xf32, #tpu.memory_space<vmem>>
      %dma_wait3A_1047 = arith.constant 0 : i32
      %dma_wait3A_1048 = tpu.memref_slice %arg4[%squeeze3A_276, %squeeze3A_278, %dma_wait3A_1047] : memref<125000x8x64xf32, #tpu.memory_space<hbm>> -> memref<1x1x64xf32, #tpu.memory_space<hbm>>
      %dma_wait3A_1049 = tpu.memref_squeeze %dma_wait3A_1048 : memref<1x1x64xf32, #tpu.memory_space<hbm>> -> memref<64xf32, #tpu.memory_space<hbm>>
      tpu.wait_dma2 semaphore(%arg9 : memref<!tpu.dma_semaphore, #tpu.memory_space<semaphore_mem>>) src(%dma_wait3A_1049 : memref<64xf32, #tpu.memory_space<hbm>>) dst(%dma_wait3A_1046 : memref<64xf32, #tpu.memory_space<vmem>>)
      %dma_wait3A_1050 = arith.constant 0 : i32
      %dma_wait3A_1051 = tpu.memref_slice %arg8[%select_n3A_362, %select_n3A_378, %dma_wait3A_1050] : memref<64x8x64xf32, #tpu.memory_space<vmem>> -> memref<1x1x64xf32, #tpu.memory_space<vmem>>
      %dma_wait3A_1052 = tpu.memref_squeeze %dma_wait3A_1051 : memref<1x1x64xf32, #tpu.memory_space<vmem>> -> memref<64xf32, #tpu.memory_space<vmem>>
      %dma_wait3A_1053 = arith.constant 0 : i32
      %dma_wait3A_1054 = tpu.memref_slice %arg4[%squeeze3A_336, %squeeze3A_338, %dma_wait3A_1053] : memref<125000x8x64xf32, #tpu.memory_space<hbm>> -> memref<1x1x64xf32, #tpu.memory_space<hbm>>
      %dma_wait3A_1055 = tpu.memref_squeeze %dma_wait3A_1054 : memref<1x1x64xf32, #tpu.memory_space<hbm>> -> memref<64xf32, #tpu.memory_space<hbm>>
      %dma_wait3A_1056 = arith.constant 0 : i32
      %dma_wait3A_1057 = tpu.memref_slice %arg8[%select_n3A_362, %select_n3A_378, %dma_wait3A_1056] : memref<64x8x64xf32, #tpu.memory_space<vmem>> -> memref<1x1x64xf32, #tpu.memory_space<vmem>>
      %dma_wait3A_1058 = tpu.memref_squeeze %dma_wait3A_1057 : memref<1x1x64xf32, #tpu.memory_space<vmem>> -> memref<64xf32, #tpu.memory_space<vmem>>
      %dma_wait3A_1059 = arith.constant 0 : i32
      %dma_wait3A_1060 = tpu.memref_slice %arg4[%squeeze3A_336, %squeeze3A_338, %dma_wait3A_1059] : memref<125000x8x64xf32, #tpu.memory_space<hbm>> -> memref<1x1x64xf32, #tpu.memory_space<hbm>>
      %dma_wait3A_1061 = tpu.memref_squeeze %dma_wait3A_1060 : memref<1x1x64xf32, #tpu.memory_space<hbm>> -> memref<64xf32, #tpu.memory_space<hbm>>
      tpu.wait_dma2 semaphore(%arg9 : memref<!tpu.dma_semaphore, #tpu.memory_space<semaphore_mem>>) src(%dma_wait3A_1061 : memref<64xf32, #tpu.memory_space<hbm>>) dst(%dma_wait3A_1058 : memref<64xf32, #tpu.memory_space<vmem>>)
      %dma_wait3A_1062 = arith.constant 0 : i32
      %dma_wait3A_1063 = tpu.memref_slice %arg8[%select_n3A_422, %select_n3A_438, %dma_wait3A_1062] : memref<64x8x64xf32, #tpu.memory_space<vmem>> -> memref<1x1x64xf32, #tpu.memory_space<vmem>>
      %dma_wait3A_1064 = tpu.memref_squeeze %dma_wait3A_1063 : memref<1x1x64xf32, #tpu.memory_space<vmem>> -> memref<64xf32, #tpu.memory_space<vmem>>
      %dma_wait3A_1065 = arith.constant 0 : i32
      %dma_wait3A_1066 = tpu.memref_slice %arg4[%squeeze3A_396, %squeeze3A_398, %dma_wait3A_1065] : memref<125000x8x64xf32, #tpu.memory_space<hbm>> -> memref<1x1x64xf32, #tpu.memory_space<hbm>>
      %dma_wait3A_1067 = tpu.memref_squeeze %dma_wait3A_1066 : memref<1x1x64xf32, #tpu.memory_space<hbm>> -> memref<64xf32, #tpu.memory_space<hbm>>
      %dma_wait3A_1068 = arith.constant 0 : i32
      %dma_wait3A_1069 = tpu.memref_slice %arg8[%select_n3A_422, %select_n3A_438, %dma_wait3A_1068] : memref<64x8x64xf32, #tpu.memory_space<vmem>> -> memref<1x1x64xf32, #tpu.memory_space<vmem>>
      %dma_wait3A_1070 = tpu.memref_squeeze %dma_wait3A_1069 : memref<1x1x64xf32, #tpu.memory_space<vmem>> -> memref<64xf32, #tpu.memory_space<vmem>>
      %dma_wait3A_1071 = arith.constant 0 : i32
      %dma_wait3A_1072 = tpu.memref_slice %arg4[%squeeze3A_396, %squeeze3A_398, %dma_wait3A_1071] : memref<125000x8x64xf32, #tpu.memory_space<hbm>> -> memref<1x1x64xf32, #tpu.memory_space<hbm>>
      %dma_wait3A_1073 = tpu.memref_squeeze %dma_wait3A_1072 : memref<1x1x64xf32, #tpu.memory_space<hbm>> -> memref<64xf32, #tpu.memory_space<hbm>>
      tpu.wait_dma2 semaphore(%arg9 : memref<!tpu.dma_semaphore, #tpu.memory_space<semaphore_mem>>) src(%dma_wait3A_1073 : memref<64xf32, #tpu.memory_space<hbm>>) dst(%dma_wait3A_1070 : memref<64xf32, #tpu.memory_space<vmem>>)
      %dma_wait3A_1074 = arith.constant 0 : i32
      %dma_wait3A_1075 = tpu.memref_slice %arg8[%select_n3A_482, %select_n3A_498, %dma_wait3A_1074] : memref<64x8x64xf32, #tpu.memory_space<vmem>> -> memref<1x1x64xf32, #tpu.memory_space<vmem>>
      %dma_wait3A_1076 = tpu.memref_squeeze %dma_wait3A_1075 : memref<1x1x64xf32, #tpu.memory_space<vmem>> -> memref<64xf32, #tpu.memory_space<vmem>>
      %dma_wait3A_1077 = arith.constant 0 : i32
      %dma_wait3A_1078 = tpu.memref_slice %arg4[%squeeze3A_456, %squeeze3A_458, %dma_wait3A_1077] : memref<125000x8x64xf32, #tpu.memory_space<hbm>> -> memref<1x1x64xf32, #tpu.memory_space<hbm>>
      %dma_wait3A_1079 = tpu.memref_squeeze %dma_wait3A_1078 : memref<1x1x64xf32, #tpu.memory_space<hbm>> -> memref<64xf32, #tpu.memory_space<hbm>>
      %dma_wait3A_1080 = arith.constant 0 : i32
      %dma_wait3A_1081 = tpu.memref_slice %arg8[%select_n3A_482, %select_n3A_498, %dma_wait3A_1080] : memref<64x8x64xf32, #tpu.memory_space<vmem>> -> memref<1x1x64xf32, #tpu.memory_space<vmem>>
      %dma_wait3A_1082 = tpu.memref_squeeze %dma_wait3A_1081 : memref<1x1x64xf32, #tpu.memory_space<vmem>> -> memref<64xf32, #tpu.memory_space<vmem>>
      %dma_wait3A_1083 = arith.constant 0 : i32
      %dma_wait3A_1084 = tpu.memref_slice %arg4[%squeeze3A_456, %squeeze3A_458, %dma_wait3A_1083] : memref<125000x8x64xf32, #tpu.memory_space<hbm>> -> memref<1x1x64xf32, #tpu.memory_space<hbm>>
      %dma_wait3A_1085 = tpu.memref_squeeze %dma_wait3A_1084 : memref<1x1x64xf32, #tpu.memory_space<hbm>> -> memref<64xf32, #tpu.memory_space<hbm>>
      tpu.wait_dma2 semaphore(%arg9 : memref<!tpu.dma_semaphore, #tpu.memory_space<semaphore_mem>>) src(%dma_wait3A_1085 : memref<64xf32, #tpu.memory_space<hbm>>) dst(%dma_wait3A_1082 : memref<64xf32, #tpu.memory_space<vmem>>)
      %dma_wait3A_1086 = arith.constant 0 : i32
      %dma_wait3A_1087 = tpu.memref_slice %arg8[%select_n3A_542, %select_n3A_558, %dma_wait3A_1086] : memref<64x8x64xf32, #tpu.memory_space<vmem>> -> memref<1x1x64xf32, #tpu.memory_space<vmem>>
      %dma_wait3A_1088 = tpu.memref_squeeze %dma_wait3A_1087 : memref<1x1x64xf32, #tpu.memory_space<vmem>> -> memref<64xf32, #tpu.memory_space<vmem>>
      %dma_wait3A_1089 = arith.constant 0 : i32
      %dma_wait3A_1090 = tpu.memref_slice %arg4[%squeeze3A_516, %squeeze3A_518, %dma_wait3A_1089] : memref<125000x8x64xf32, #tpu.memory_space<hbm>> -> memref<1x1x64xf32, #tpu.memory_space<hbm>>
      %dma_wait3A_1091 = tpu.memref_squeeze %dma_wait3A_1090 : memref<1x1x64xf32, #tpu.memory_space<hbm>> -> memref<64xf32, #tpu.memory_space<hbm>>
      %dma_wait3A_1092 = arith.constant 0 : i32
      %dma_wait3A_1093 = tpu.memref_slice %arg8[%select_n3A_542, %select_n3A_558, %dma_wait3A_1092] : memref<64x8x64xf32, #tpu.memory_space<vmem>> -> memref<1x1x64xf32, #tpu.memory_space<vmem>>
      %dma_wait3A_1094 = tpu.memref_squeeze %dma_wait3A_1093 : memref<1x1x64xf32, #tpu.memory_space<vmem>> -> memref<64xf32, #tpu.memory_space<vmem>>
      %dma_wait3A_1095 = arith.constant 0 : i32
      %dma_wait3A_1096 = tpu.memref_slice %arg4[%squeeze3A_516, %squeeze3A_518, %dma_wait3A_1095] : memref<125000x8x64xf32, #tpu.memory_space<hbm>> -> memref<1x1x64xf32, #tpu.memory_space<hbm>>
      %dma_wait3A_1097 = tpu.memref_squeeze %dma_wait3A_1096 : memref<1x1x64xf32, #tpu.memory_space<hbm>> -> memref<64xf32, #tpu.memory_space<hbm>>
      tpu.wait_dma2 semaphore(%arg9 : memref<!tpu.dma_semaphore, #tpu.memory_space<semaphore_mem>>) src(%dma_wait3A_1097 : memref<64xf32, #tpu.memory_space<hbm>>) dst(%dma_wait3A_1094 : memref<64xf32, #tpu.memory_space<vmem>>)
      %dma_wait3A_1098 = arith.constant 0 : i32
      %dma_wait3A_1099 = tpu.memref_slice %arg8[%select_n3A_602, %select_n3A_618, %dma_wait3A_1098] : memref<64x8x64xf32, #tpu.memory_space<vmem>> -> memref<1x1x64xf32, #tpu.memory_space<vmem>>
      %dma_wait3A_1100 = tpu.memref_squeeze %dma_wait3A_1099 : memref<1x1x64xf32, #tpu.memory_space<vmem>> -> memref<64xf32, #tpu.memory_space<vmem>>
      %dma_wait3A_1101 = arith.constant 0 : i32
      %dma_wait3A_1102 = tpu.memref_slice %arg4[%squeeze3A_576, %squeeze3A_578, %dma_wait3A_1101] : memref<125000x8x64xf32, #tpu.memory_space<hbm>> -> memref<1x1x64xf32, #tpu.memory_space<hbm>>
      %dma_wait3A_1103 = tpu.memref_squeeze %dma_wait3A_1102 : memref<1x1x64xf32, #tpu.memory_space<hbm>> -> memref<64xf32, #tpu.memory_space<hbm>>
      %dma_wait3A_1104 = arith.constant 0 : i32
      %dma_wait3A_1105 = tpu.memref_slice %arg8[%select_n3A_602, %select_n3A_618, %dma_wait3A_1104] : memref<64x8x64xf32, #tpu.memory_space<vmem>> -> memref<1x1x64xf32, #tpu.memory_space<vmem>>
      %dma_wait3A_1106 = tpu.memref_squeeze %dma_wait3A_1105 : memref<1x1x64xf32, #tpu.memory_space<vmem>> -> memref<64xf32, #tpu.memory_space<vmem>>
      %dma_wait3A_1107 = arith.constant 0 : i32
      %dma_wait3A_1108 = tpu.memref_slice %arg4[%squeeze3A_576, %squeeze3A_578, %dma_wait3A_1107] : memref<125000x8x64xf32, #tpu.memory_space<hbm>> -> memref<1x1x64xf32, #tpu.memory_space<hbm>>
      %dma_wait3A_1109 = tpu.memref_squeeze %dma_wait3A_1108 : memref<1x1x64xf32, #tpu.memory_space<hbm>> -> memref<64xf32, #tpu.memory_space<hbm>>
      tpu.wait_dma2 semaphore(%arg9 : memref<!tpu.dma_semaphore, #tpu.memory_space<semaphore_mem>>) src(%dma_wait3A_1109 : memref<64xf32, #tpu.memory_space<hbm>>) dst(%dma_wait3A_1106 : memref<64xf32, #tpu.memory_space<vmem>>)
      %dma_wait3A_1110 = arith.constant 0 : i32
      %dma_wait3A_1111 = tpu.memref_slice %arg8[%select_n3A_662, %select_n3A_678, %dma_wait3A_1110] : memref<64x8x64xf32, #tpu.memory_space<vmem>> -> memref<1x1x64xf32, #tpu.memory_space<vmem>>
      %dma_wait3A_1112 = tpu.memref_squeeze %dma_wait3A_1111 : memref<1x1x64xf32, #tpu.memory_space<vmem>> -> memref<64xf32, #tpu.memory_space<vmem>>
      %dma_wait3A_1113 = arith.constant 0 : i32
      %dma_wait3A_1114 = tpu.memref_slice %arg4[%squeeze3A_636, %squeeze3A_638, %dma_wait3A_1113] : memref<125000x8x64xf32, #tpu.memory_space<hbm>> -> memref<1x1x64xf32, #tpu.memory_space<hbm>>
      %dma_wait3A_1115 = tpu.memref_squeeze %dma_wait3A_1114 : memref<1x1x64xf32, #tpu.memory_space<hbm>> -> memref<64xf32, #tpu.memory_space<hbm>>
      %dma_wait3A_1116 = arith.constant 0 : i32
      %dma_wait3A_1117 = tpu.memref_slice %arg8[%select_n3A_662, %select_n3A_678, %dma_wait3A_1116] : memref<64x8x64xf32, #tpu.memory_space<vmem>> -> memref<1x1x64xf32, #tpu.memory_space<vmem>>
      %dma_wait3A_1118 = tpu.memref_squeeze %dma_wait3A_1117 : memref<1x1x64xf32, #tpu.memory_space<vmem>> -> memref<64xf32, #tpu.memory_space<vmem>>
      %dma_wait3A_1119 = arith.constant 0 : i32
      %dma_wait3A_1120 = tpu.memref_slice %arg4[%squeeze3A_636, %squeeze3A_638, %dma_wait3A_1119] : memref<125000x8x64xf32, #tpu.memory_space<hbm>> -> memref<1x1x64xf32, #tpu.memory_space<hbm>>
      %dma_wait3A_1121 = tpu.memref_squeeze %dma_wait3A_1120 : memref<1x1x64xf32, #tpu.memory_space<hbm>> -> memref<64xf32, #tpu.memory_space<hbm>>
      tpu.wait_dma2 semaphore(%arg9 : memref<!tpu.dma_semaphore, #tpu.memory_space<semaphore_mem>>) src(%dma_wait3A_1121 : memref<64xf32, #tpu.memory_space<hbm>>) dst(%dma_wait3A_1118 : memref<64xf32, #tpu.memory_space<vmem>>)
      %dma_wait3A_1122 = arith.constant 0 : i32
      %dma_wait3A_1123 = tpu.memref_slice %arg8[%select_n3A_722, %select_n3A_738, %dma_wait3A_1122] : memref<64x8x64xf32, #tpu.memory_space<vmem>> -> memref<1x1x64xf32, #tpu.memory_space<vmem>>
      %dma_wait3A_1124 = tpu.memref_squeeze %dma_wait3A_1123 : memref<1x1x64xf32, #tpu.memory_space<vmem>> -> memref<64xf32, #tpu.memory_space<vmem>>
      %dma_wait3A_1125 = arith.constant 0 : i32
      %dma_wait3A_1126 = tpu.memref_slice %arg4[%squeeze3A_696, %squeeze3A_698, %dma_wait3A_1125] : memref<125000x8x64xf32, #tpu.memory_space<hbm>> -> memref<1x1x64xf32, #tpu.memory_space<hbm>>
      %dma_wait3A_1127 = tpu.memref_squeeze %dma_wait3A_1126 : memref<1x1x64xf32, #tpu.memory_space<hbm>> -> memref<64xf32, #tpu.memory_space<hbm>>
      %dma_wait3A_1128 = arith.constant 0 : i32
      %dma_wait3A_1129 = tpu.memref_slice %arg8[%select_n3A_722, %select_n3A_738, %dma_wait3A_1128] : memref<64x8x64xf32, #tpu.memory_space<vmem>> -> memref<1x1x64xf32, #tpu.memory_space<vmem>>
      %dma_wait3A_1130 = tpu.memref_squeeze %dma_wait3A_1129 : memref<1x1x64xf32, #tpu.memory_space<vmem>> -> memref<64xf32, #tpu.memory_space<vmem>>
      %dma_wait3A_1131 = arith.constant 0 : i32
      %dma_wait3A_1132 = tpu.memref_slice %arg4[%squeeze3A_696, %squeeze3A_698, %dma_wait3A_1131] : memref<125000x8x64xf32, #tpu.memory_space<hbm>> -> memref<1x1x64xf32, #tpu.memory_space<hbm>>
      %dma_wait3A_1133 = tpu.memref_squeeze %dma_wait3A_1132 : memref<1x1x64xf32, #tpu.memory_space<hbm>> -> memref<64xf32, #tpu.memory_space<hbm>>
      tpu.wait_dma2 semaphore(%arg9 : memref<!tpu.dma_semaphore, #tpu.memory_space<semaphore_mem>>) src(%dma_wait3A_1133 : memref<64xf32, #tpu.memory_space<hbm>>) dst(%dma_wait3A_1130 : memref<64xf32, #tpu.memory_space<vmem>>)
      %dma_wait3A_1134 = arith.constant 0 : i32
      %dma_wait3A_1135 = tpu.memref_slice %arg8[%select_n3A_782, %select_n3A_798, %dma_wait3A_1134] : memref<64x8x64xf32, #tpu.memory_space<vmem>> -> memref<1x1x64xf32, #tpu.memory_space<vmem>>
      %dma_wait3A_1136 = tpu.memref_squeeze %dma_wait3A_1135 : memref<1x1x64xf32, #tpu.memory_space<vmem>> -> memref<64xf32, #tpu.memory_space<vmem>>
      %dma_wait3A_1137 = arith.constant 0 : i32
      %dma_wait3A_1138 = tpu.memref_slice %arg4[%squeeze3A_756, %squeeze3A_758, %dma_wait3A_1137] : memref<125000x8x64xf32, #tpu.memory_space<hbm>> -> memref<1x1x64xf32, #tpu.memory_space<hbm>>
      %dma_wait3A_1139 = tpu.memref_squeeze %dma_wait3A_1138 : memref<1x1x64xf32, #tpu.memory_space<hbm>> -> memref<64xf32, #tpu.memory_space<hbm>>
      %dma_wait3A_1140 = arith.constant 0 : i32
      %dma_wait3A_1141 = tpu.memref_slice %arg8[%select_n3A_782, %select_n3A_798, %dma_wait3A_1140] : memref<64x8x64xf32, #tpu.memory_space<vmem>> -> memref<1x1x64xf32, #tpu.memory_space<vmem>>
      %dma_wait3A_1142 = tpu.memref_squeeze %dma_wait3A_1141 : memref<1x1x64xf32, #tpu.memory_space<vmem>> -> memref<64xf32, #tpu.memory_space<vmem>>
      %dma_wait3A_1143 = arith.constant 0 : i32
      %dma_wait3A_1144 = tpu.memref_slice %arg4[%squeeze3A_756, %squeeze3A_758, %dma_wait3A_1143] : memref<125000x8x64xf32, #tpu.memory_space<hbm>> -> memref<1x1x64xf32, #tpu.memory_space<hbm>>
      %dma_wait3A_1145 = tpu.memref_squeeze %dma_wait3A_1144 : memref<1x1x64xf32, #tpu.memory_space<hbm>> -> memref<64xf32, #tpu.memory_space<hbm>>
      tpu.wait_dma2 semaphore(%arg9 : memref<!tpu.dma_semaphore, #tpu.memory_space<semaphore_mem>>) src(%dma_wait3A_1145 : memref<64xf32, #tpu.memory_space<hbm>>) dst(%dma_wait3A_1142 : memref<64xf32, #tpu.memory_space<vmem>>)
      %dma_wait3A_1146 = arith.constant 0 : i32
      %dma_wait3A_1147 = tpu.memref_slice %arg8[%select_n3A_842, %select_n3A_858, %dma_wait3A_1146] : memref<64x8x64xf32, #tpu.memory_space<vmem>> -> memref<1x1x64xf32, #tpu.memory_space<vmem>>
      %dma_wait3A_1148 = tpu.memref_squeeze %dma_wait3A_1147 : memref<1x1x64xf32, #tpu.memory_space<vmem>> -> memref<64xf32, #tpu.memory_space<vmem>>
      %dma_wait3A_1149 = arith.constant 0 : i32
      %dma_wait3A_1150 = tpu.memref_slice %arg4[%squeeze3A_816, %squeeze3A_818, %dma_wait3A_1149] : memref<125000x8x64xf32, #tpu.memory_space<hbm>> -> memref<1x1x64xf32, #tpu.memory_space<hbm>>
      %dma_wait3A_1151 = tpu.memref_squeeze %dma_wait3A_1150 : memref<1x1x64xf32, #tpu.memory_space<hbm>> -> memref<64xf32, #tpu.memory_space<hbm>>
      %dma_wait3A_1152 = arith.constant 0 : i32
      %dma_wait3A_1153 = tpu.memref_slice %arg8[%select_n3A_842, %select_n3A_858, %dma_wait3A_1152] : memref<64x8x64xf32, #tpu.memory_space<vmem>> -> memref<1x1x64xf32, #tpu.memory_space<vmem>>
      %dma_wait3A_1154 = tpu.memref_squeeze %dma_wait3A_1153 : memref<1x1x64xf32, #tpu.memory_space<vmem>> -> memref<64xf32, #tpu.memory_space<vmem>>
      %dma_wait3A_1155 = arith.constant 0 : i32
      %dma_wait3A_1156 = tpu.memref_slice %arg4[%squeeze3A_816, %squeeze3A_818, %dma_wait3A_1155] : memref<125000x8x64xf32, #tpu.memory_space<hbm>> -> memref<1x1x64xf32, #tpu.memory_space<hbm>>
      %dma_wait3A_1157 = tpu.memref_squeeze %dma_wait3A_1156 : memref<1x1x64xf32, #tpu.memory_space<hbm>> -> memref<64xf32, #tpu.memory_space<hbm>>
      tpu.wait_dma2 semaphore(%arg9 : memref<!tpu.dma_semaphore, #tpu.memory_space<semaphore_mem>>) src(%dma_wait3A_1157 : memref<64xf32, #tpu.memory_space<hbm>>) dst(%dma_wait3A_1154 : memref<64xf32, #tpu.memory_space<vmem>>)
      %dma_wait3A_1158 = arith.constant 0 : i32
      %dma_wait3A_1159 = tpu.memref_slice %arg8[%select_n3A_902, %select_n3A_918, %dma_wait3A_1158] : memref<64x8x64xf32, #tpu.memory_space<vmem>> -> memref<1x1x64xf32, #tpu.memory_space<vmem>>
      %dma_wait3A_1160 = tpu.memref_squeeze %dma_wait3A_1159 : memref<1x1x64xf32, #tpu.memory_space<vmem>> -> memref<64xf32, #tpu.memory_space<vmem>>
      %dma_wait3A_1161 = arith.constant 0 : i32
      %dma_wait3A_1162 = tpu.memref_slice %arg4[%squeeze3A_876, %squeeze3A_878, %dma_wait3A_1161] : memref<125000x8x64xf32, #tpu.memory_space<hbm>> -> memref<1x1x64xf32, #tpu.memory_space<hbm>>
      %dma_wait3A_1163 = tpu.memref_squeeze %dma_wait3A_1162 : memref<1x1x64xf32, #tpu.memory_space<hbm>> -> memref<64xf32, #tpu.memory_space<hbm>>
      %dma_wait3A_1164 = arith.constant 0 : i32
      %dma_wait3A_1165 = tpu.memref_slice %arg8[%select_n3A_902, %select_n3A_918, %dma_wait3A_1164] : memref<64x8x64xf32, #tpu.memory_space<vmem>> -> memref<1x1x64xf32, #tpu.memory_space<vmem>>
      %dma_wait3A_1166 = tpu.memref_squeeze %dma_wait3A_1165 : memref<1x1x64xf32, #tpu.memory_space<vmem>> -> memref<64xf32, #tpu.memory_space<vmem>>
      %dma_wait3A_1167 = arith.constant 0 : i32
      %dma_wait3A_1168 = tpu.memref_slice %arg4[%squeeze3A_876, %squeeze3A_878, %dma_wait3A_1167] : memref<125000x8x64xf32, #tpu.memory_space<hbm>> -> memref<1x1x64xf32, #tpu.memory_space<hbm>>
      %dma_wait3A_1169 = tpu.memref_squeeze %dma_wait3A_1168 : memref<1x1x64xf32, #tpu.memory_space<hbm>> -> memref<64xf32, #tpu.memory_space<hbm>>
      tpu.wait_dma2 semaphore(%arg9 : memref<!tpu.dma_semaphore, #tpu.memory_space<semaphore_mem>>) src(%dma_wait3A_1169 : memref<64xf32, #tpu.memory_space<hbm>>) dst(%dma_wait3A_1166 : memref<64xf32, #tpu.memory_space<vmem>>)
      %dma_wait3A_1170 = arith.constant 0 : i32
      %dma_wait3A_1171 = tpu.memref_slice %arg8[%select_n3A_962, %select_n3A_978, %dma_wait3A_1170] : memref<64x8x64xf32, #tpu.memory_space<vmem>> -> memref<1x1x64xf32, #tpu.memory_space<vmem>>
      %dma_wait3A_1172 = tpu.memref_squeeze %dma_wait3A_1171 : memref<1x1x64xf32, #tpu.memory_space<vmem>> -> memref<64xf32, #tpu.memory_space<vmem>>
      %dma_wait3A_1173 = arith.constant 0 : i32
      %dma_wait3A_1174 = tpu.memref_slice %arg4[%squeeze3A_936, %squeeze3A_938, %dma_wait3A_1173] : memref<125000x8x64xf32, #tpu.memory_space<hbm>> -> memref<1x1x64xf32, #tpu.memory_space<hbm>>
      %dma_wait3A_1175 = tpu.memref_squeeze %dma_wait3A_1174 : memref<1x1x64xf32, #tpu.memory_space<hbm>> -> memref<64xf32, #tpu.memory_space<hbm>>
      %dma_wait3A_1176 = arith.constant 0 : i32
      %dma_wait3A_1177 = tpu.memref_slice %arg8[%select_n3A_962, %select_n3A_978, %dma_wait3A_1176] : memref<64x8x64xf32, #tpu.memory_space<vmem>> -> memref<1x1x64xf32, #tpu.memory_space<vmem>>
      %dma_wait3A_1178 = tpu.memref_squeeze %dma_wait3A_1177 : memref<1x1x64xf32, #tpu.memory_space<vmem>> -> memref<64xf32, #tpu.memory_space<vmem>>
      %dma_wait3A_1179 = arith.constant 0 : i32
      %dma_wait3A_1180 = tpu.memref_slice %arg4[%squeeze3A_936, %squeeze3A_938, %dma_wait3A_1179] : memref<125000x8x64xf32, #tpu.memory_space<hbm>> -> memref<1x1x64xf32, #tpu.memory_space<hbm>>
      %dma_wait3A_1181 = tpu.memref_squeeze %dma_wait3A_1180 : memref<1x1x64xf32, #tpu.memory_space<hbm>> -> memref<64xf32, #tpu.memory_space<hbm>>
      tpu.wait_dma2 semaphore(%arg9 : memref<!tpu.dma_semaphore, #tpu.memory_space<semaphore_mem>>) src(%dma_wait3A_1181 : memref<64xf32, #tpu.memory_space<hbm>>) dst(%dma_wait3A_1178 : memref<64xf32, #tpu.memory_space<vmem>>)
      %scan3A_1182 = arith.constant 0 : i32
      scf.yield %scan3A_1182 : i32
    }
    %scan3A_8 = arith.constant 32 : i32
    %jit3A = arith.constant 8 : i32
    %div3A = arith.divsi %mul3A_2, %jit3A : i32
    %sign3A = arith.constant 0 : i32
    %sign3A_9 = arith.cmpi sgt, %mul3A_2, %sign3A : i32
    %sign3A_10 = arith.extui %sign3A_9 : i1 to i32
    %sign3A_11 = arith.constant 0 : i32
    %sign3A_12 = arith.cmpi slt, %mul3A_2, %sign3A_11 : i32
    %sign3A_13 = arith.extui %sign3A_12 : i1 to i32
    %sign3A_14 = arith.subi %sign3A_10, %sign3A_13 : i32
    %sign3A_15 = arith.constant 0 : i32
    %sign3A_16 = arith.cmpi sgt, %jit3A, %sign3A_15 : i32
    %sign3A_17 = arith.extui %sign3A_16 : i1 to i32
    %sign3A_18 = arith.constant 0 : i32
    %sign3A_19 = arith.cmpi slt, %jit3A, %sign3A_18 : i32
    %sign3A_20 = arith.extui %sign3A_19 : i1 to i32
    %sign3A_21 = arith.subi %sign3A_17, %sign3A_20 : i32
    %ne3A = arith.cmpi ne, %sign3A_14, %sign3A_21 : i32
    %rem3A = arith.remsi %mul3A_2, %jit3A : i32
    %ne3A_22 = arith.constant 0 : i32
    %ne3A_23 = arith.cmpi ne, %rem3A, %ne3A_22 : i32
    %and3A = arith.andi %ne3A, %ne3A_23 : i1
    %sub3A = arith.constant 1 : i32
    %sub3A_24 = arith.subi %div3A, %sub3A : i32
    %select_n3A = arith.select %and3A, %sub3A_24, %div3A : i32
    "tpu.region"() ({
      %run_scoped3A = tpu.sem_alloc : memref<!tpu.dma_semaphore, #tpu.memory_space<semaphore_mem>>
      %dma_start3A = arith.constant 0 : i32
      %dma_start3A_25 = arith.constant 0 : i32
      %dma_start3A_26 = tpu.memref_slice %arg5[%select_n3A, %dma_start3A, %dma_start3A_25] : memref<2048x8x64xf32, #tpu.memory_space<hbm>> -> memref<64x8x64xf32, #tpu.memory_space<hbm>>
      %dma_start3A_27 = arith.constant 0 : i32
      %dma_start3A_28 = arith.constant 0 : i32
      %dma_start3A_29 = tpu.memref_slice %arg5[%select_n3A, %dma_start3A_27, %dma_start3A_28] : memref<2048x8x64xf32, #tpu.memory_space<hbm>> -> memref<64x8x64xf32, #tpu.memory_space<hbm>>
      tpu.enqueue_dma source(%arg8 : memref<64x8x64xf32, #tpu.memory_space<vmem>>) target(%dma_start3A_29 : memref<64x8x64xf32, #tpu.memory_space<hbm>>) target_semaphore(%run_scoped3A : memref<!tpu.dma_semaphore, #tpu.memory_space<semaphore_mem>>)
      %dma_wait3A = arith.constant 0 : i32
      %dma_wait3A_30 = arith.constant 0 : i32
      %dma_wait3A_31 = tpu.memref_slice %arg5[%select_n3A, %dma_wait3A, %dma_wait3A_30] : memref<2048x8x64xf32, #tpu.memory_space<hbm>> -> memref<64x8x64xf32, #tpu.memory_space<hbm>>
      %dma_wait3A_32 = arith.constant 0 : i32
      %dma_wait3A_33 = arith.constant 0 : i32
      %dma_wait3A_34 = tpu.memref_slice %arg5[%select_n3A, %dma_wait3A_32, %dma_wait3A_33] : memref<2048x8x64xf32, #tpu.memory_space<hbm>> -> memref<64x8x64xf32, #tpu.memory_space<hbm>>
      tpu.wait_dma2 semaphore(%run_scoped3A : memref<!tpu.dma_semaphore, #tpu.memory_space<semaphore_mem>>) src(%arg8 : memref<64x8x64xf32, #tpu.memory_space<vmem>>) dst(%dma_wait3A_34 : memref<64x8x64xf32, #tpu.memory_space<hbm>>)
      tpu.yield
    }) : () -> ()
    return
  }
}

</mosaic_0001>

<sc_bundles>
// kernel: kernel.3.cloned.1.call-start
scs
__scs_entry_jumppad:
0x0: {  	(pc) =	sbr.rel $0x88, $3  }
0x1: {  	(tag) =	ssettag $0x0;
	lr =	simm.s32 $0x1  }
0x2: {  	[smem:$0x3F9F] =	sst lr;
	_ =	strace $0xD0000000  }
0x3: {  	_ = 	snop  }
0x4: {  	_ = 	snop  }
0x5: {  	_ = 	snop  }
0x6: {  	_ = 	snop  }
0x7: {  	_ = 	snop  }
__scs_overlays_trampoline_lowered:
0x8: {  	[smem:$0x3FAE] =	sst s0  }
0x9: {  	[smem:$0x3FAF] =	sst s1  }
0xa: {  	[smem:$0x3FB0] =	sst s2  }
0xb: {  	[smem:$0x3FB1] =	sst s3  }
0xc: {  	[smem:$0x3FB2] =	sst s4  }
0xd: {  	[smem:$0x3FB3] =	sst s5  }
0xe: {  	[smem:$0x3FB4] =	sst s6  }
0xf: {  	[smem:$0x3FB5] =	sst s7  }
0x10: {  	[smem:$0x3FB6] =	sst s8  }
0x11: {  	[smem:$0x3FB7] =	sst s9;
	s0 =	simm.s32 @!p0 $0x0  }
0x12: {  	s1 =	sld [smem:$0x3F9D];
	s0 =	simm.s32 @p0 $0x1  }
0x13: {  	[smem:$0x3FB8] =	sst s0;
	s0 =	simm.s32 @!p1 $0x0  }
0x14: {  	s2 =	sld [smem:$0x3F9C];
	s0 =	simm.s32 @p1 $0x1  }
0x15: {  	[smem:$0x3FB9] =	sst s0;
	s0 =	simm.s32 @!p2 $0x0  }
0x16: {  	s3 =	sld [smem:$0x3FDB];
	s0 =	simm.s32 @p2 $0x1  }
0x17: {  	s4 =	simm.s32 $0x1BF5;
	[smem:$0x3FBB] =	sst s0  }
0x18: {  	s0 =	sld [smem:$0x3F9E];
	_ =	swait.ge [sflag:s4], $0x0  }
0x19: {  	s7 =	sld [smem:$0x3F9F]  }
0x1a: {  	s8 =	sadd.s32 $0xFFFFE003, lr  }
0x1b: {  	s9 =	sadd.s32 $0xFFFFFEF7, lr;
	s5 =	simm.s32 $0xFFFFFFFF;
	p2 =	slt.u32 s8, $0xFFFFF086  }
0x1c: {  	p1 =	slt.u32 s9, $0xF7A;
	s5 =	simm.s32 @!p2 $0x0  }
0x1d: {  	s5 =	simm.s32 @p1 $0x1;
	p0 =	seq.s32 s7, s2  }
0x1e: {  	s7 =	smul.u32 @!p0 $0xF7A, s2;
	p2 =	seq.s32 @!p0 s5, $0x0  }
0x1f: {  	s9 =	smul.u32 $0xF7A, s1;
	s8 =	simm.s32 @!p0 $0x1BF5;
	p2 =	por !p2, p0  }
0x20: {  	[sflag:s8] =	ssyncset.s32 @!p0 $0xFFFFF086;
	s6 =	sadd.s32 @!p0 s3, s7;
	s7 =	simm.s32 @!p0 $0x108  }
0x21: {  	s3 =	sadd.s32 s3, s9;
	s6 =	sadd.s32 @!p0 $0x88, s6;
	s7 =	simm.s32 @p2 $0x1082  }
0x22: {  	[simem:s7], [sflag:s8] =	dma.local @!p0 [hbm:s6], $0xF7A  }
0x23: {  	s9 =	sor.u32 $0xD0000000, s2;
	s6 =	simm.s32 $0x108;
	_ =	swait.ge @!p0 [sflag:s8], $0x0  }
0x24: {  	s3 =	sadd.s32 $0x88, s3;
	s6 =	simm.s32 @!p1 $0x1082;
	[sflag:s4] =	ssyncset.s32 $0xFFFFF086  }
0x25: {  	[simem:s6], [sflag:s4] =	dma.local [hbm:s3], $0xF7A  }
0x26: {  	[smem:$0x3F9F] =	sst s1;
	(tag) =	ssettag s2;
	_ =	strace s9  }
0x27: {  	s1 =	sld [smem:$0x3FAF]  }
0x28: {  	s2 =	sld [smem:$0x3FB0]  }
0x29: {  	s4 =	sld [smem:$0x3FB2]  }
0x2a: {  	p0 =	seq.s32 s5, $0x0;
	s5 =	sld [smem:$0x3FB3]  }
0x2b: {  	s6 =	sld [smem:$0x3FB4]  }
0x2c: {  	s7 =	sld [smem:$0x3FB5]  }
0x2d: {  	s3 =	simm.s32 $0x108;
	s8 =	sld [smem:$0x3FB6]  }
0x2e: {  	s3 =	simm.s32 @!p0 $0x1082;
	s9 =	sld [smem:$0x3FB7]  }
0x2f: {  	lr =	sadd.s32 s0, s3;
	s0 =	sld [smem:$0x3FAE]  }
0x30: {  	s3 =	sld [smem:$0x3FB1]  }
0x31: {  	[smem:$0x3FBA] =	sst s10  }
0x32: {  	s10 =	sld [smem:$0x3FB8];
	_ =	sdelay $0x3  }
0x33: {  	p0 =	seq.s32 s10, $0x1;
	s10 =	sld [smem:$0x3FBA];
	_ =	sdelay $0x3  }
0x34: {  	[smem:$0x3FBA] =	sst s10  }
0x35: {  	s10 =	sld [smem:$0x3FB9];
	_ =	sdelay $0x3  }
0x36: {  	p1 =	seq.s32 s10, $0x1;
	s10 =	sld [smem:$0x3FBA];
	_ =	sdelay $0x3  }
0x37: {  	[smem:$0x3FBA] =	sst s10  }
0x38: {  	s10 =	sld [smem:$0x3FBB]  }
0x39: {  	_ = 	snop;
	(pc) =	sbr.ind lr, $3  }
0x3a: {  	_ = 	snop  }
0x3b: {  	_ = 	snop  }
0x3c: {  	p2 =	seq.s32 s10, $0x1;
	s10 =	sld [smem:$0x3FBA]  }
0x3d: {  	_ =	shalt  }
0x3e: {  	_ =	shalt  }
0x3f: {  	_ =	shalt  }
0x40: {  	_ =	shalt  }
0x41: {  	_ =	shalt  }
0x42: {  	_ =	shalt  }
0x43: {  	_ =	shalt  }
0x44: {  	_ =	shalt  }
0x45: {  	_ =	shalt  }
0x46: {  	_ =	shalt  }
0x47: {  	_ =	shalt  }
0x48: {  	_ =	shalt  }
0x49: {  	_ =	shalt  }
0x4a: {  	_ =	shalt  }
0x4b: {  	_ =	shalt  }
0x4c: {  	_ =	shalt  }
0x4d: {  	_ =	shalt  }
0x4e: {  	_ =	shalt  }
0x4f: {  	_ =	shalt  }
0x50: {  	_ =	shalt  }
0x51: {  	_ =	shalt  }
0x52: {  	_ =	shalt  }
0x53: {  	_ =	shalt  }
0x54: {  	_ =	shalt  }
0x55: {  	_ =	shalt  }
0x56: {  	_ =	shalt  }
0x57: {  	_ =	shalt  }
0x58: {  	_ =	shalt  }
0x59: {  	_ =	shalt  }
0x5a: {  	_ =	shalt  }
0x5b: {  	_ =	shalt  }
0x5c: {  	_ =	shalt  }
0x5d: {  	_ =	shalt  }
0x5e: {  	_ =	shalt  }
0x5f: {  	_ =	shalt  }
0x60: {  	_ =	shalt  }
0x61: {  	_ =	shalt  }
0x62: {  	_ =	shalt  }
0x63: {  	_ =	shalt  }
0x64: {  	_ =	shalt  }
0x65: {  	_ =	shalt  }
0x66: {  	_ =	shalt  }
0x67: {  	_ =	shalt  }
0x68: {  	_ =	shalt  }
0x69: {  	_ =	shalt  }
0x6a: {  	_ =	shalt  }
0x6b: {  	_ =	shalt  }
0x6c: {  	_ =	shalt  }
0x6d: {  	_ =	shalt  }
0x6e: {  	_ =	shalt  }
0x6f: {  	_ =	shalt  }
0x70: {  	_ =	shalt  }
0x71: {  	_ =	shalt  }
0x72: {  	_ =	shalt  }
0x73: {  	_ =	shalt  }
0x74: {  	_ =	shalt  }
0x75: {  	_ =	shalt  }
0x76: {  	_ =	shalt  }
0x77: {  	_ =	shalt  }
0x78: {  	_ =	shalt  }
0x79: {  	_ =	shalt  }
0x7a: {  	_ =	shalt  }
0x7b: {  	_ =	shalt  }
0x7c: {  	_ =	shalt  }
0x7d: {  	_ =	shalt  }
0x7e: {  	_ =	shalt  }
0x7f: {  	_ =	shalt  }
0x80: {  	_ =	shalt  }
0x81: {  	_ =	shalt  }
0x82: {  	_ =	shalt  }
0x83: {  	_ =	shalt  }
0x84: {  	_ =	shalt  }
0x85: {  	_ =	shalt  }
0x86: {  	_ =	shalt  }
0x87: {  	_ =	shalt  }
.Lfunc_end0:
.L_simem_size_0:
called_computation_lowered:
.L_overlay_start_0:
0x88: {  	s2 =	sld [smem:$0x3FD9]  }
0x89: {  	s3 =	sld [smem:$0x3FFE];
	_ =	sdelay $0x1  }
0x8a: {  	s1 =	srdreg.scid  }
0x8b: {  	s0 =	sand.u32 $0x1, s1  }
0x8c: {  	s17 =	sshll.u32 s0, $0xA;
	s2 =	sadd.s32 s3, s2  }
0x8d: {  	s2 =	sadd.s32 s2, s17  }
0x8e: {  	[smem:$0x3FC6] =	sst s2  }
0x8f: {  	_ = 	snop  }
0x90: {  	s2 =	sld [smem:$0x3FD0];
	(tm) =	ssettm $0x1  }
0x91: {  	s18 =	sld [smem:$0x3FFB];
	_ =	sdelay $0x3  }
0x92: {  	_ =	strace s18  }
0x93: {  	s3 =	sld [smem:$0x3FFC];
	_ =	sdelay $0x3  }
0x94: {  	_ =	strace s3  }
0x95: {  	s3 =	sld [smem:$0x3FFD];
	_ =	sdelay $0x3  }
0x96: {  	_ =	strace s3  }
0x97: {  	_ =	strace $0x8FFFFFFF  }
0x98: {  	s19 =	sld [smem:$0x3FDB];
	_ =	sdelay $0x1  }
0x99: {  	s4 =	simm.s32 $_scs_section_size  }
0x9a: {  	s5 =	simm.s32 $_size__tile_overlayer_lowered;
	s6 =	simm.s32 $_tile_overlayer_lowered  }
0x9b: {  	s22 =	simm.s32 $0x1BFF;
	s21 =	sshll.u32 s6, $0x1;
	s3 =	sadd.s32 s4, s19  }
0x9c: {  	s7 =	simm.s32 $0x0;
	s20 =	sshll.u32 s5, $0x1;
	s5 =	sadd.s32 s21, s3  }
0x9d: {  	[timem:s7], [sflag:s22] =	dma.local [hbm:s5], s20  }
0x9e: {  	_ =	swait.ge [sflag:s22], s20  }
0x9f: {  	s4 =	ssub.s32 $0x0, s20;
	[sflag:s22] =	ssyncset.done $0x0  }
0xa0: {  	[sflag:s22] =	ssyncadd.s32 s4;
	_ =	sdelay $0x1  }
0xa1: {  	s23 =	simm.s32 $0x1B8B  }
0xa2: {  	_ =	swait.ge [sflag:s23], $0x1  }
0xa3: {  	[sflag:s23] =	ssyncset.done $0x0  }
0xa4: {  	s25 =	simm.s32 $0x1B8E;
	s24 =	sld [smem:$0x3FFE];
	[sflag:s23] =	ssyncadd.s32 $0xFFFFFFFF  }
0xa5: {  	s26 =	simm.s32 $execute0_lowered;
	[smem:$0x3FD2] =	sst s25  }
0xa6: {  	s5 =	sshll.u32 s26, $0x1;
	_ =	strace $0x80000046;
	[dreg:$0x1] =	wrdreg $0xFFFFFFFF  }
0xa7: {  	s28 =	simm.s32 $_size_execute0_lowered;
	s3 =	sadd.s32 s3, s5;
	[dreg:$0x0] =	wrdreg $0x0  }
0xa8: {  	s5 =	sshll.u32 s28, $0x1;
	[dreg:$0x2] =	wrdreg s3  }
0xa9: {  	[dreg:$0x3] =	wrdreg s5  }
0xaa: {  	[dreg:$0x4] =	wrdreg $0xC0  }
0xab: {  	_ =	task [dreg:s7], $0x5FFFF  }
0xac: {  	[dreg:$0x1] =	wrdreg $0xFFFFFFFF  }
0xad: {  	[dreg:$0x0] =	wrdreg $0x60  }
0xae: {  	[dreg:$0x2] =	wrdreg s24  }
0xaf: {  	[dreg:$0x3] =	wrdreg s2  }
0xb0: {  	[dreg:$0x4] =	wrdreg $0x9  }
0xb1: {  	_ =	task.clear_ibuf [dreg:s7], $0x5FFFF;
	_ =	strace $0x90000046  }
0xb2: {  	s29 =	simm.s32 $0x9;
	_ =	strace $0x80000048  }
0xb3: {  	_ =	swait.ge [sflag:s29], $0x1  }
0xb4: {  	[sflag:s29] =	ssyncadd.s32 $0xFFFFFFFF  }
0xb5: {  	_ =	strace $0x90000048  }
0xb6: {  	_ =	sfence  }
0xb7: {  	s30 =	sld [smem:$0x0];
	_ =	sdelay $0x2  }
0xb8: {  	s31 =	sshll.u32 s1, $0xD;
	s1 =	sshrl.u32 s1, $0x2  }
0xb9: {  	s3 =	sand.u32 $0x4000, s31;
	s1 =	sadd.s32 s1, s30  }
0xba: {  	s0 =	sor.u32 s3, s0;
	s1 =	sshll.u32 s1, $0x11  }
0xbb: {  	s0 =	sor.u32 s1, s0  }
0xbc: {  	s0 =	sadd.s32 $0x8F2B, s0  }
0xbd: {  	[sflag:s0] =	ssyncadd.remote.s32 $0x1  }
0xbe: {  	_ =	sfence.sel $0xFFFF  }
0xbf: {  	[dreg:$0x0] =	wrdreg $0xFFFFFFFF;
	(pc) =	sbr.abs _section_cstart, $3  }
0xc0: {  	[dreg:$0x1] =	wrdreg $0xFFFFFFFF  }
0xc1: {  	_ =	task.clear_ibuf [dreg:s7], $0x2FFFF;
	_ =	strace $0x9FFFFFFF  }
0xc2: {  	(tm) =	ssettm $0x7FFFFFFF  }
0xc3: {  	_ =	shalt  }
tec
execute0_lowered:
.L_overlay_start_1:
0x0: {  	(tag) =	ssettag $0x1  }
0x1: {  	s4 =	rddreg [dreg:$0x0]  }
0x2: {  	s5 =	rddreg [dreg:$0x1]  }
0x3: {  	s2 =	srdreg.scid;
	s0 =	rddreg [dreg:$0x2]  }
0x4: {  	s1 =	stileid.u32;
	s10 =	simm.s32 $0x400;
	s11 =	simm.s32 $0x0  }
0x5: {  	s3 =	sand.u32 $0x1, s2;
	s2 =	simm.s32 $0x0;
	s6 =	sshll.u32 s1, $0xA  }
0x6: {  	s7 =	sshll.u32 s3, $0x9;
	[smem:$0x7FF] =	sst s2;
	s9 =	ssub.s32 $0x2, s3  }
0x7: {  	s3 =	sadd.s32 $0xE00, s4;
	s6 =	sor.u32 s7, s6;
	_ =	strace $0x80000047  }
0x8: {  	s31 =	sshrl.u32 s9, $0x1;
	s7 =	sshrl.u32 s6, $0x3;
	s6 =	sshll.u32 s6, $0x4  }
0x9: {  	s9 =	ssub.s32 s9, s31;
	s8 =	sadd.s32 s7, s4;
	s6 =	sadd.s32 s6, s4  }
0xa: {  	s5 =	sadd.s32 s5, s7;
	s7 =	smax.u32 s9, $0x1;
	s9 =	simm.s32 $0x1  }
0xb: {  	s4 =	sadd.s32 $0x600, s8;
	s6 =	sadd.s32 $0xF43200, s6;
	s8 =	simm.s32 $0x2  }
.LBB2_1:
0xc: {  	[tilespmem:s2], [sflag:$0x2] =	stream.linear.gather [hbm4b:s4+s2], $0x200, $0x38;
	[tilespmem:$0x10400] =	vst v63  }
0xd: {  	_ =	swait.ge [sflag:s8], $0x200  }
0xe: {  	[sflag:s8] =	ssyncset.done $0x0  }
0xf: {  	s12 =	simm.s32 $0x200;
	[sflag:s8] =	ssyncadd.s32 $0xFFFFFE00  }
0x10: {  	[tilespmem:s12], [sflag:$0x2] =	stream.linear.gather [hbm4b:s5+s2], $0x200, $0x38;
	[tilespmem:$0x10400] =	vst v63  }
0x11: {  	_ =	swait.ge [sflag:s8], $0x200  }
0x12: {  	[sflag:s8] =	ssyncset.done $0x0  }
0x13: {  	s13 =	simm.s32 $0x0;
	s14 =	simm.s32 $0x0;
	[sflag:s8] =	ssyncadd.s32 $0xFFFFFE00  }
.LBB2_2:
0x14: {  	v0 =	vld [tilespmem:s12+$0x0];
	_ =	sdelay $0x4  }
0x15: {  	v1 =	vld [tilespmem:s13+$0x0];
	v0 =	vshll.u32 v0, $0x7  }
0x16: {  	(v2sf) =	vpush v0, $0x0;
	_ =	sdelay $0x3  }
0x17: {  	v1 =	vshll.u32 v1, $0xA  }
0x18: {  	(v2sf) =	vpush v1, $0x0  }
0x19: {  	(v2sf) =	vpush v0, $0x1  }
0x1a: {  	(v2sf) =	vpush v1, $0x1;
	_ =	sdelay $0x4  }
0x1b: {  	(v2sf) =	vpush v0, $0x2;
	_ =	sdelay $0x2  }
0x1c: {  	s15 =	spop (v2sf);
	(v2sf) =	vpush v1, $0x2;
	_ =	sdelay $0x3  }
0x1d: {  	(v2sf) =	vpush v0, $0x3  }
0x1e: {  	s17 =	spop (v2sf)  }
0x1f: {  	s21 =	spop (v2sf);
	(v2sf) =	vpush v1, $0x3  }
0x20: {  	s18 =	spop (v2sf);
	(v2sf) =	vpush v0, $0x4  }
0x21: {  	s16 =	sand.u32 $0xFFFFFC00, s15  }
0x22: {  	s15 =	sand.u32 $0x380, s15;
	s16 =	sadd.s32 s17, s16  }
0x23: {  	s16 =	sor.u32 s15, s16  }
0x24: {  	s15 =	sshra.s32 s14, $0x2;
	s22 =	sand.u32 $0xFFFFFC00, s21;
	s16 =	sshrl.u32 s16, $0x3  }
0x25: {  	s20 =	sadd.s32 $0x400, s15;
	s24 =	spop (v2sf);
	(v2sf) =	vpush v1, $0x4;
	s16 =	sadd.s32 s3, s16  }
0x26: {  	[tilespmem:s20], [sflag:$0x1] =	stream.linear.gather [hbm4b:s16+s2], $0x80, $0x38;
	[tilespmem:$0x10400] =	vst v63  }
0x27: {  	s17 =	sadd.s32 s18, s22;
	s16 =	sand.u32 $0x380, s21  }
0x28: {  	s16 =	sor.u32 s16, s17;
	s26 =	spop (v2sf);
	(v2sf) =	vpush v0, $0x5  }
0x29: {  	s16 =	sshrl.u32 s16, $0x3  }
0x2a: {  	s23 =	sadd.s32 $0x480, s15;
	s16 =	sadd.s32 s3, s16  }
0x2b: {  	[tilespmem:s23], [sflag:$0x1] =	stream.linear.gather [hbm4b:s16+s2], $0x80, $0x38;
	[tilespmem:$0x10400] =	vst v63  }
0x2c: {  	s25 =	sand.u32 $0xFFFFFC00, s24;
	s29 =	spop (v2sf);
	(v2sf) =	vpush v1, $0x5  }
0x2d: {  	s16 =	sand.u32 $0x380, s24;
	s17 =	sadd.s32 s26, s25  }
0x2e: {  	s16 =	sor.u32 s16, s17;
	s31 =	spop (v2sf);
	(v2sf) =	vpush v0, $0x6  }
0x2f: {  	s16 =	sshrl.u32 s16, $0x3;
	s20 =	spop (v2sf);
	(v2sf) =	vpush v1, $0x6  }
0x30: {  	s28 =	sadd.s32 $0x500, s15;
	s30 =	sand.u32 $0xFFFFFC00, s29;
	s16 =	sadd.s32 s3, s16  }
0x31: {  	[tilespmem:s28], [sflag:$0x1] =	stream.linear.gather [hbm4b:s16+s2], $0x80, $0x38;
	[tilespmem:$0x10400] =	vst v63  }
0x32: {  	s17 =	sadd.s32 s31, s30;
	s16 =	sand.u32 $0x380, s29  }
0x33: {  	s16 =	sor.u32 s16, s17  }
0x34: {  	s22 =	spop (v2sf);
	(v2sf) =	vpush v0, $0x7;
	s16 =	sshrl.u32 s16, $0x3  }
0x35: {  	s19 =	sadd.s32 $0x580, s15;
	s16 =	sadd.s32 s3, s16  }
0x36: {  	[tilespmem:s19], [sflag:$0x1] =	stream.linear.gather [hbm4b:s16+s2], $0x80, $0x38;
	[tilespmem:$0x10400] =	vst v63  }
0x37: {  	s21 =	sand.u32 $0xFFFFFC00, s20;
	s24 =	spop (v2sf);
	(v2sf) =	vpush v1, $0x7  }
0x38: {  	s17 =	sadd.s32 s22, s21;
	s16 =	sand.u32 $0x380, s20  }
0x39: {  	s16 =	sor.u32 s16, s17  }
0x3a: {  	s16 =	sshrl.u32 s16, $0x3  }
0x3b: {  	s23 =	sadd.s32 $0x600, s15;
	s16 =	sadd.s32 s3, s16;
	s26 =	spop (v2sf);
	(v2sf) =	vpush v0, $0x8  }
0x3c: {  	[tilespmem:s23], [sflag:$0x1] =	stream.linear.gather [hbm4b:s16+s2], $0x80, $0x38;
	[tilespmem:$0x10400] =	vst v63  }
0x3d: {  	s29 =	spop (v2sf);
	(v2sf) =	vpush v1, $0x8  }
0x3e: {  	s31 =	spop (v2sf);
	(v2sf) =	vpush v0, $0x9  }
0x3f: {  	s25 =	sand.u32 $0xFFFFFC00, s24  }
0x40: {  	s16 =	sand.u32 $0x380, s24;
	s17 =	sadd.s32 s26, s25  }
0x41: {  	s16 =	sor.u32 s16, s17  }
0x42: {  	s28 =	sadd.s32 $0x680, s15;
	s16 =	sshrl.u32 s16, $0x3  }
0x43: {  	s30 =	sand.u32 $0xFFFFFC00, s29;
	s20 =	spop (v2sf);
	(v2sf) =	vpush v1, $0x9;
	s16 =	sadd.s32 s3, s16  }
0x44: {  	[tilespmem:s28], [sflag:$0x1] =	stream.linear.gather [hbm4b:s16+s2], $0x80, $0x38;
	[tilespmem:$0x10400] =	vst v63  }
0x45: {  	s17 =	sadd.s32 s31, s30;
	s16 =	sand.u32 $0x380, s29  }
0x46: {  	s16 =	sor.u32 s16, s17;
	s22 =	spop (v2sf);
	(v2sf) =	vpush v0, $0xA  }
0x47: {  	s16 =	sshrl.u32 s16, $0x3  }
0x48: {  	s19 =	sadd.s32 $0x700, s15;
	s21 =	sand.u32 $0xFFFFFC00, s20;
	s16 =	sadd.s32 s3, s16  }
0x49: {  	[tilespmem:s19], [sflag:$0x1] =	stream.linear.gather [hbm4b:s16+s2], $0x80, $0x38;
	[tilespmem:$0x10400] =	vst v63  }
0x4a: {  	s16 =	sand.u32 $0x380, s20;
	s17 =	sadd.s32 s22, s21;
	s24 =	spop (v2sf);
	(v2sf) =	vpush v1, $0xA  }
0x4b: {  	s16 =	sor.u32 s16, s17  }
0x4c: {  	s23 =	sadd.s32 $0x780, s15;
	s26 =	spop (v2sf);
	s16 =	sshrl.u32 s16, $0x3  }
0x4d: {  	s25 =	sand.u32 $0xFFFFFC00, s24;
	(v2sf) =	vpush v0, $0xB;
	s29 =	spop (v2sf);
	s16 =	sadd.s32 s3, s16  }
0x4e: {  	(v2sf) =	vpush v1, $0xB;
	[tilespmem:s23], [sflag:$0x1] =	stream.linear.gather [hbm4b:s16+s2], $0x80, $0x38;
	[tilespmem:$0x10400] =	vst v63  }
0x4f: {  	s17 =	sadd.s32 s26, s25;
	s16 =	sand.u32 $0x380, s24  }
0x50: {  	s16 =	sor.u32 s16, s17  }
0x51: {  	s28 =	sadd.s32 $0x800, s15;
	s16 =	sshrl.u32 s16, $0x3  }
0x52: {  	s30 =	sand.u32 $0xFFFFFC00, s29;
	s31 =	spop (v2sf);
	s16 =	sadd.s32 s3, s16  }
0x53: {  	(v2sf) =	vpush v0, $0xC;
	[tilespmem:s28], [sflag:$0x1] =	stream.linear.gather [hbm4b:s16+s2], $0x80, $0x38;
	[tilespmem:$0x10400] =	vst v63  }
0x54: {  	s17 =	sadd.s32 s31, s30;
	s16 =	sand.u32 $0x380, s29  }
0x55: {  	s16 =	sor.u32 s16, s17;
	s20 =	spop (v2sf);
	(v2sf) =	vpush v1, $0xC  }
0x56: {  	s16 =	sshrl.u32 s16, $0x3  }
0x57: {  	s19 =	sadd.s32 $0x880, s15;
	s16 =	sadd.s32 s3, s16  }
0x58: {  	[tilespmem:s19], [sflag:$0x1] =	stream.linear.gather [hbm4b:s16+s2], $0x80, $0x38;
	(v2sf) =	vpush v0, $0xD;
	[tilespmem:$0x10400] =	vst v63  }
0x59: {  	s21 =	sand.u32 $0xFFFFFC00, s20;
	s22 =	spop (v2sf);
	(v2sf) =	vpush v1, $0xD  }
0x5a: {  	s16 =	sand.u32 $0x380, s20;
	s17 =	sadd.s32 s22, s21  }
0x5b: {  	s16 =	sor.u32 s16, s17  }
0x5c: {  	s23 =	sadd.s32 $0x900, s15;
	s24 =	spop (v2sf);
	s16 =	sshrl.u32 s16, $0x3  }
0x5d: {  	s25 =	sand.u32 $0xFFFFFC00, s24;
	s26 =	spop (v2sf);
	(v2sf) =	vpush v0, $0xE;
	s16 =	sadd.s32 s3, s16  }
0x5e: {  	(v2sf) =	vpush v1, $0xE;
	[tilespmem:s23], [sflag:$0x1] =	stream.linear.gather [hbm4b:s16+s2], $0x80, $0x38;
	[tilespmem:$0x10400] =	vst v63  }
0x5f: {  	s17 =	sadd.s32 s26, s25;
	s16 =	sand.u32 $0x380, s24  }
0x60: {  	s16 =	sor.u32 s16, s17  }
0x61: {  	s16 =	sshrl.u32 s16, $0x3  }
0x62: {  	s28 =	sadd.s32 $0x980, s15;
	s29 =	spop (v2sf);
	s16 =	sadd.s32 s3, s16  }
0x63: {  	[tilespmem:s28], [sflag:$0x1] =	stream.linear.gather [hbm4b:s16+s2], $0x80, $0x38;
	[tilespmem:$0x10400] =	vst v63  }
0x64: {  	s30 =	sand.u32 $0xFFFFFC00, s29;
	s31 =	spop (v2sf)  }
0x65: {  	s16 =	sand.u32 $0x380, s29;
	(v2sf) =	vpush v1, $0xF;
	s17 =	sadd.s32 s31, s30  }
0x66: {  	(v2sf) =	vpush v0, $0xF;
	s16 =	sor.u32 s16, s17  }
0x67: {  	s20 =	sadd.s32 $0xA00, s15;
	s19 =	spop (v2sf);
	s16 =	sshrl.u32 s16, $0x3  }
0x68: {  	s21 =	spop (v2sf);
	s22 =	sand.u32 $0xFFFFFC00, s19;
	s16 =	sadd.s32 s3, s16  }
0x69: {  	[tilespmem:s20], [sflag:$0x1] =	stream.linear.gather [hbm4b:s16+s2], $0x80, $0x38;
	[tilespmem:$0x10400] =	vst v63  }
0x6a: {  	s17 =	sand.u32 $0x380, s19;
	s16 =	sadd.s32 s21, s22  }
0x6b: {  	s16 =	sor.u32 s17, s16  }
0x6c: {  	s24 =	sadd.s32 $0xA80, s15;
	s23 =	spop (v2sf);
	s16 =	sshrl.u32 s16, $0x3  }
0x6d: {  	s25 =	spop (v2sf);
	s26 =	sand.u32 $0xFFFFFC00, s23;
	s16 =	sadd.s32 s3, s16  }
0x6e: {  	[tilespmem:s24], [sflag:$0x1] =	stream.linear.gather [hbm4b:s16+s2], $0x80, $0x38;
	[tilespmem:$0x10400] =	vst v63  }
0x6f: {  	s17 =	sand.u32 $0x380, s23;
	s16 =	sadd.s32 s25, s26  }
0x70: {  	s16 =	sor.u32 s17, s16  }
0x71: {  	s16 =	sshrl.u32 s16, $0x3  }
0x72: {  	s29 =	sadd.s32 $0xB00, s15;
	s16 =	sadd.s32 s3, s16  }
0x73: {  	[tilespmem:s29], [sflag:$0x1] =	stream.linear.gather [hbm4b:s16+s2], $0x80, $0x38;
	[tilespmem:$0x10400] =	vst v63  }
0x74: {  	s28 =	spop (v2sf)  }
0x75: {  	s30 =	spop (v2sf)  }
0x76: {  	s31 =	sand.u32 $0xFFFFFC00, s30  }
0x77: {  	s16 =	sand.u32 $0x380, s30;
	s17 =	sadd.s32 s28, s31  }
0x78: {  	s16 =	sor.u32 s16, s17  }
0x79: {  	s16 =	sshrl.u32 s16, $0x3  }
0x7a: {  	s15 =	sadd.s32 $0xB80, s15;
	s16 =	sadd.s32 s3, s16  }
0x7b: {  	[tilespmem:s15], [sflag:$0x1] =	stream.linear.gather [hbm4b:s16+s2], $0x80, $0x38;
	[tilespmem:$0x10400] =	vst v63  }
0x7c: {  	_ =	swait.ge [sflag:s9], $0x80  }
0x7d: {  	[sflag:s9] =	ssyncset.done $0x0  }
0x7e: {  	[sflag:s9] =	ssyncadd.s32 $0xFFFFFF80  }
0x7f: {  	_ =	swait.ge [sflag:s9], $0x80  }
0x80: {  	[sflag:s9] =	ssyncset.done $0x0  }
0x81: {  	[sflag:s9] =	ssyncadd.s32 $0xFFFFFF80  }
0x82: {  	_ =	swait.ge [sflag:s9], $0x80  }
0x83: {  	[sflag:s9] =	ssyncset.done $0x0  }
0x84: {  	[sflag:s9] =	ssyncadd.s32 $0xFFFFFF80  }
0x85: {  	_ =	swait.ge [sflag:s9], $0x80  }
0x86: {  	[sflag:s9] =	ssyncset.done $0x0  }
0x87: {  	[sflag:s9] =	ssyncadd.s32 $0xFFFFFF80  }
0x88: {  	_ =	swait.ge [sflag:s9], $0x80  }
0x89: {  	[sflag:s9] =	ssyncset.done $0x0  }
0x8a: {  	[sflag:s9] =	ssyncadd.s32 $0xFFFFFF80  }
0x8b: {  	_ =	swait.ge [sflag:s9], $0x80  }
0x8c: {  	[sflag:s9] =	ssyncset.done $0x0  }
0x8d: {  	[sflag:s9] =	ssyncadd.s32 $0xFFFFFF80  }
0x8e: {  	_ =	swait.ge [sflag:s9], $0x80  }
0x8f: {  	[sflag:s9] =	ssyncset.done $0x0  }
0x90: {  	[sflag:s9] =	ssyncadd.s32 $0xFFFFFF80  }
0x91: {  	_ =	swait.ge [sflag:s9], $0x80  }
0x92: {  	[sflag:s9] =	ssyncset.done $0x0  }
0x93: {  	[sflag:s9] =	ssyncadd.s32 $0xFFFFFF80  }
0x94: {  	_ =	swait.ge [sflag:s9], $0x80  }
0x95: {  	[sflag:s9] =	ssyncset.done $0x0  }
0x96: {  	[sflag:s9] =	ssyncadd.s32 $0xFFFFFF80  }
0x97: {  	_ =	swait.ge [sflag:s9], $0x80  }
0x98: {  	[sflag:s9] =	ssyncset.done $0x0  }
0x99: {  	[sflag:s9] =	ssyncadd.s32 $0xFFFFFF80  }
0x9a: {  	_ =	swait.ge [sflag:s9], $0x80  }
0x9b: {  	[sflag:s9] =	ssyncset.done $0x0  }
0x9c: {  	[sflag:s9] =	ssyncadd.s32 $0xFFFFFF80  }
0x9d: {  	_ =	swait.ge [sflag:s9], $0x80  }
0x9e: {  	[sflag:s9] =	ssyncset.done $0x0  }
0x9f: {  	[sflag:s9] =	ssyncadd.s32 $0xFFFFFF80  }
0xa0: {  	_ =	swait.ge [sflag:s9], $0x80  }
0xa1: {  	[sflag:s9] =	ssyncset.done $0x0  }
0xa2: {  	[sflag:s9] =	ssyncadd.s32 $0xFFFFFF80  }
0xa3: {  	_ =	swait.ge [sflag:s9], $0x80  }
0xa4: {  	[sflag:s9] =	ssyncset.done $0x0  }
0xa5: {  	[sflag:s9] =	ssyncadd.s32 $0xFFFFFF80  }
0xa6: {  	p0 =	sne.s32 s14, $0x3E000;
	_ =	swait.ge [sflag:s9], $0x80  }
.Ltmp0:
0xa7: {  	[sflag:s9] =	ssyncset.done $0x0;
	(pc) =	sbr.rel @p0 .LBB2_2-.Ltmp0, $4  }
0xa8: {  	[sflag:s9] =	ssyncadd.s32 $0xFFFFFF80  }
0xa9: {  	_ =	swait.ge [sflag:s9], $0x80  }
0xaa: {  	s13 =	sadd.s32 $0x10, s13;
	[sflag:s9] =	ssyncset.done $0x0  }
0xab: {  	s12 =	sadd.s32 $0x10, s12;
	s14 =	sadd.s32 $0x2000, s14;
	[sflag:s9] =	ssyncadd.s32 $0xFFFFFF80  }
0xac: {  	s11 =	sadd.s32 $0x1, s11  }
0xad: {  	p0 =	sne.s32 s11, s7  }
.Ltmp1:
0xae: {  	_ = 	snop;
	(pc) =	sbr.rel @p0 .LBB2_1-.Ltmp1, $4  }
0xaf: {  	[hbm4b:s6+s2] =	stream.linear.scatter [tilespmem:s10], [sflag:$0x2], $0x10000, $0x38;
	[tilespmem:$0x10400] =	vst v63  }
0xb0: {  	_ =	swait.ge [sflag:s8], $0x10000  }
0xb1: {  	[sflag:s8] =	ssyncset.done $0x0  }
0xb2: {  	[sflag:s8] =	ssyncadd.s32 $0xFFFF0000  }
0xb3: {  	_ =	sfence.sel $0x180000  }
0xb4: {  	[bflag:$0x0] =	sbarrier.arrive $0xFFFF  }
0xb5: {  	p0 =	sne.s32 s1, $0x0;
	_ =	strace $0x90000047  }
0xb6: {  	s0 =	sadd.s32 @!p0 $0x100000, s0;
	[bflag:$0x2] =	sbarrier.arrive $0xFFFF  }
0xb7: {  	[sflag:s0] =	ssyncadd.tile.s32 @!p0 $0x1;
	_ =	shalt  }
.Lfunc_end2:
_tile_overlayer_lowered:
.L_overlay_start_2:
0xb8: {  	(tag) =	ssettag $0x2  }
0xb9: {  	s0 =	rddreg [dreg:$0x0];
	s2 =	stileid.u32  }
0xba: {  	s1 =	rddreg [dreg:$0x1];
	p0 =	sne.s32 s2, $0x0  }
0xbb: {  	s3 =	rddreg [dreg:$0x2];
	[bflag:$0x3] =	sbarrier.arrive $0xFFFF;
	s2 =	simm.s32 @!p0 $0x1C02  }
0xbc: {  	[timem:s3], [sflag:s2] =	dma.local @!p0 [hbm:s0], s1  }
0xbd: {  	s0 =	simm.s32 @!p0 $0x2  }
0xbe: {  	_ =	swait.ge @!p0 [sflag:s0], s1  }
0xbf: {  	s1 =	ssub.s32 @!p0 $0x0, s1;
	[sflag:s0] =	ssyncset.done @!p0 $0x0  }
0xc0: {  	[sflag:s0] =	ssyncadd.s32 @!p0 s1  }
0xc1: {  	[bflag:$0x3] =	sbarrier.arrive $0xFFFF  }
0xc2: {  	_ =	shalt  }

</sc_bundles>
